<compile_context>
chip_gen: v7x
topology: tpu7x:2x2x1
jax: 0.10.2.dev20260603
libtpu: 0.0.44.dev20260713+nightly
codegen_flags: <defaults>
</compile_context>

<pallas_src>
import functools

import jax
import jax.numpy as jnp
import numpy as np
from jax import lax
from jax.experimental import pallas as pl
from jax.experimental.pallas import tpu as pltpu
from jax.experimental.pallas import tpu_sc as plsc

N = 10000
E = 320000
D = 128
H = 4
DH = 32
NB = 128
TD = 64
L = 6
MAXR = 30.0
AVG_DEG = 15.57930850982666

NC = 2
NS = 16
NW = NC * NS
BATCH = 128
NBATCH = E // BATCH
NBW = 80
NBATCH_PAD = NW * NBW
NPAD = 10240


def _mesh():
    return plsc.VectorSubcoreMesh(core_axis_name="c", subcore_axis_name="s")


def _wid():
    return lax.axis_index("s") * NC + lax.axis_index("c")


def _span(w):
    b0 = pl.multiple_of(NBW * w, 8)
    nb = jnp.clip(NBATCH - NBW * w, 1, NBW)
    return b0, nb


@functools.partial(jax.jit, static_argnums=(2, 3))
def _sc_gather(table, idx2, dp, tiled):
    K = max(1, min(6, 768 // dp))
    nchunk = (NBW + K - 1) // K

    @functools.partial(
        pl.kernel,
        mesh=_mesh(),
        out_type=jax.ShapeDtypeStruct((E, dp), jnp.float32),
        compiler_params=pltpu.CompilerParams(use_tc_tiling_on_sc=tiled),
        scratch_types=[
            pltpu.VMEM((NBW, BATCH), jnp.int32),
            pltpu.VMEM((K, BATCH, dp), jnp.float32),
            pltpu.SemaphoreType.DMA((K,)),
            pltpu.SemaphoreType.DMA,
        ],
    )
    def k(table_hbm, idx2_hbm, out_hbm, idx_all, rows_v, gsems, ssem):
        w = _wid()
        b0, nb = _span(w)
        pltpu.sync_copy(idx2_hbm.at[pl.ds(b0, NBW)], idx_all)

        def body(c, _):
            js = [jnp.minimum(c * K + i, nb - 1) for i in range(K)]
            outs = [pl.multiple_of((b0 + js[i]) * BATCH, 8) for i in range(K)]
            for i in range(K):
                pltpu.async_copy(table_hbm.at[idx_all.at[js[i]]],
                                 rows_v.at[i], gsems.at[i])
            for i in range(K):
                pltpu.make_async_copy(table_hbm.at[idx_all.at[js[i]]],
                                      rows_v.at[i], gsems.at[i]).wait()
                pltpu.async_copy(rows_v.at[i],
                                 out_hbm.at[pl.ds(outs[i], BATCH)], ssem)
            for i in range(K):
                pltpu.make_async_copy(rows_v.at[i],
                                      out_hbm.at[pl.ds(outs[i], BATCH)],
                                      ssem).wait()
            return 0

        lax.fori_loop(0, nchunk, body, 0)

    return k(table, idx2)


@jax.jit
def _sc_gather_qkv(kv, q, sidx2, didx2):
    K = 2
    nchunk = (NBW + K - 1) // K

    @functools.partial(
        pl.kernel,
        mesh=_mesh(),
        out_type=[jax.ShapeDtypeStruct((E, D), jnp.float32)] * 3,
        compiler_params=pltpu.CompilerParams(use_tc_tiling_on_sc=True),
        scratch_types=[
            pltpu.VMEM((NBW, BATCH), jnp.int32),
            pltpu.VMEM((NBW, BATCH), jnp.int32),
            pltpu.VMEM((K, BATCH, 2 * D), jnp.float32),
            pltpu.VMEM((K, BATCH, D), jnp.float32),
            pltpu.SemaphoreType.DMA((K,)),
            pltpu.SemaphoreType.DMA((K,)),
            pltpu.SemaphoreType.DMA,
        ],
    )
    def k(kv_hbm, q_hbm, sidx2_hbm, didx2_hbm, kg_hbm, vg_hbm, qg_hbm,
          sidx_all, didx_all, kv_v, q_v, kvsems, qsems, ssem):
        w = _wid()
        b0, nb = _span(w)
        pltpu.sync_copy(sidx2_hbm.at[pl.ds(b0, NBW)], sidx_all)
        pltpu.sync_copy(didx2_hbm.at[pl.ds(b0, NBW)], didx_all)

        def body(c, _):
            js = [jnp.minimum(c * K + i, nb - 1) for i in range(K)]
            outs = [pl.multiple_of((b0 + js[i]) * BATCH, 8) for i in range(K)]
            for i in range(K):
                pltpu.async_copy(kv_hbm.at[sidx_all.at[js[i]]],
                                 kv_v.at[i], kvsems.at[i])
                pltpu.async_copy(q_hbm.at[didx_all.at[js[i]]],
                                 q_v.at[i], qsems.at[i])
            for i in range(K):
                pltpu.make_async_copy(kv_hbm.at[sidx_all.at[js[i]]],
                                      kv_v.at[i], kvsems.at[i]).wait()
                pltpu.async_copy(kv_v.at[i, :, pl.ds(0, D)],
                                 kg_hbm.at[pl.ds(outs[i], BATCH)], ssem)
                pltpu.async_copy(kv_v.at[i, :, pl.ds(D, D)],
                                 vg_hbm.at[pl.ds(outs[i], BATCH)], ssem)
                pltpu.make_async_copy(q_hbm.at[didx_all.at[js[i]]],
                                      q_v.at[i], qsems.at[i]).wait()
                pltpu.async_copy(q_v.at[i], qg_hbm.at[pl.ds(outs[i], BATCH)],
                                 ssem)
            for i in range(K):
                pltpu.make_async_copy(kv_v.at[i, :, pl.ds(0, D)],
                                      kg_hbm.at[pl.ds(outs[i], BATCH)], ssem).wait()
                pltpu.make_async_copy(kv_v.at[i, :, pl.ds(D, D)],
                                      vg_hbm.at[pl.ds(outs[i], BATCH)], ssem).wait()
                pltpu.make_async_copy(q_v.at[i], qg_hbm.at[pl.ds(outs[i], BATCH)],
                                      ssem).wait()
            return 0

        lax.fori_loop(0, nchunk, body, 0)

    return k(kv, q, sidx2, didx2)


@functools.partial(jax.jit, static_argnums=(2, 3, 4))
def _sc_scatter_add(vals, idx2, dp, kq, tiled):
    npad = NPAD if tiled else N
    zeros = jnp.zeros((npad, dp), jnp.float32)
    rps = npad // NS
    nchunk = (NBW + kq - 1) // kq

    @functools.partial(
        pl.kernel,
        mesh=_mesh(),
        out_type=jax.ShapeDtypeStruct((2 * npad, dp), jnp.float32),
        compiler_params=pltpu.CompilerParams(use_tc_tiling_on_sc=tiled),
        scratch_types=[
            pltpu.VMEM((NBW, BATCH), jnp.int32),
            pltpu.VMEM((kq, BATCH, dp), jnp.float32),
            pltpu.SemaphoreType.DMA((kq,)),
            pltpu.VMEM_SHARED((npad, dp), jnp.float32),
        ],
    )
    def k(vals_hbm, idx2_hbm, zeros_hbm, out_hbm, idx_all, vals_v, vsems, acc):
        cid = lax.axis_index("c")
        sid = lax.axis_index("s")
        w = _wid()
        b0, nb = _span(w)
        r0 = pl.multiple_of(sid * rps, 8)
        o0 = pl.multiple_of(cid * npad + sid * rps, 8)
        pltpu.sync_copy(zeros_hbm.at[pl.ds(r0, rps)], acc.at[pl.ds(r0, rps)])
        pltpu.sync_copy(idx2_hbm.at[pl.ds(b0, NBW)], idx_all)
        plsc.subcore_barrier()

        def body(c, _):
            for i in range(kq):
                j = c * kq + i
                v0 = pl.multiple_of((b0 + j) * BATCH, 8)

                @pl.when(j < nb)
                def _():
                    pltpu.async_copy(vals_hbm.at[pl.ds(v0, BATCH)],
                                     vals_v.at[i], vsems.at[i])
            for i in range(kq):
                j = c * kq + i
                v0 = pl.multiple_of((b0 + j) * BATCH, 8)

                @pl.when(j < nb)
                def _():
                    pltpu.make_async_copy(vals_hbm.at[pl.ds(v0, BATCH)],
                                          vals_v.at[i], vsems.at[i]).wait()
                    pltpu.sync_copy(vals_v.at[i], acc.at[idx_all.at[j]], add=True)
            return 0

        lax.fori_loop(0, nchunk, body, 0)
        plsc.subcore_barrier()
        pltpu.sync_copy(acc.at[pl.ds(r0, rps)], out_hbm.at[pl.ds(o0, rps)])

    return k(vals, idx2, zeros).reshape(2, npad, dp)


def _segsum(vals, idx2, dp, kq=2, tiled=True):
    p = _sc_scatter_add(vals, idx2, dp, kq, tiled)
    return p[0, :N] + p[1, :N]


BE = 2560
_WIDTH = MAXR / NB


def _rbf_gate(rsh, w1, w2, w16):
    rcol = rsh[:, 0:1]
    centers = lax.broadcasted_iota(jnp.int32, (1, NB), 1).astype(jnp.float32) * (MAXR / (NB - 1))
    rbf = jnp.exp(-(((rcol - centers) / _WIDTH) ** 2))
    hmid = jax.nn.silu(jnp.dot(rbf, w1, preferred_element_type=jnp.float32))
    gate = jnp.dot(hmid, w2, preferred_element_type=jnp.float32)
    shx = jnp.dot(rsh, w16, preferred_element_type=jnp.float32)
    return gate, shx


def _head_mats():
    d_sx = lax.broadcasted_iota(jnp.int32, (D, 8), 0) // DH
    h_sx = lax.broadcasted_iota(jnp.int32, (D, 8), 1)
    sx = jnp.where(d_sx == h_sx, 1.0 / np.sqrt(DH), 0.0).astype(jnp.float32)
    h_b = lax.broadcasted_iota(jnp.int32, (8, D), 0)
    d_b = lax.broadcasted_iota(jnp.int32, (8, D), 1) // DH
    b8 = jnp.where(h_b == d_b, 1.0, 0.0).astype(jnp.float32)
    return sx, b8


def _attn_body(rshT_b, kg_b, vg_b, qg_b, w1_b, w2_b, w16_b, msg_b, exT_b):
    rsh = jnp.transpose(rshT_b[...], (1, 0))
    gate, shg = _rbf_gate(rsh, w1_b[...], w2_b[...], w16_b[...])
    prod = qg_b[...] * kg_b[...] * gate * shg
    sx, b8 = _head_mats()
    l8 = jnp.dot(prod, sx, preferred_element_type=jnp.float32)
    hcol = lax.broadcasted_iota(jnp.int32, (BE, 8), 1)
    ex8 = jnp.where(hcol < H, jnp.exp(l8), 0.0)
    exb = jnp.dot(ex8, b8, preferred_element_type=jnp.float32)
    msg_b[...] = vg_b[...] * gate * exb
    exT_b[...] = jnp.transpose(ex8, (1, 0))


@jax.jit
def _tc_edge_attn(rshT, kg, vg, qg, w1, w2, w16):
    return pl.pallas_call(
        _attn_body,
        grid=(E // BE,),
        in_specs=[
            pl.BlockSpec((16, BE), lambda b: (0, b)),
            pl.BlockSpec((BE, D), lambda b: (b, 0)),
            pl.BlockSpec((BE, D), lambda b: (b, 0)),
            pl.BlockSpec((BE, D), lambda b: (b, 0)),
            pl.BlockSpec((NB, 64), lambda b: (0, 0)),
            pl.BlockSpec((64, D), lambda b: (0, 0)),
            pl.BlockSpec((16, D), lambda b: (0, 0)),
        ],
        out_specs=[
            pl.BlockSpec((BE, D), lambda b: (b, 0)),
            pl.BlockSpec((8, BE), lambda b: (0, b)),
        ],
        out_shape=[jax.ShapeDtypeStruct((E, D), jnp.float32),
                   jax.ShapeDtypeStruct((8, E), jnp.float32)],
    )(rshT, kg, vg, qg, w1, w2, w16)


def _deg_body(rshT_b, w1_b, w2_b, w16_b, out_b):
    rsh = jnp.transpose(rshT_b[...], (1, 0))
    wrad, shf = _rbf_gate(rsh, w1_b[...], w2_b[...], w16_b[...])
    out_b[...] = wrad * shf


@jax.jit
def _tc_edge_deg(rshT, w1, w2, w16):
    return pl.pallas_call(
        _deg_body,
        grid=(E // BE,),
        in_specs=[
            pl.BlockSpec((16, BE), lambda b: (0, b)),
            pl.BlockSpec((NB, 64), lambda b: (0, 0)),
            pl.BlockSpec((64, D), lambda b: (0, 0)),
            pl.BlockSpec((16, D), lambda b: (0, 0)),
        ],
        out_specs=pl.BlockSpec((BE, D), lambda b: (b, 0)),
        out_shape=jax.ShapeDtypeStruct((E, D), jnp.float32),
    )(rshT, w1, w2, w16)


def _w16(wsh):
    return jnp.zeros((16, D), jnp.float32).at[1:10].set(wsh)


def _ln(x):
    mu = x.mean(-1, keepdims=True)
    v = ((x - mu) ** 2).mean(-1, keepdims=True)
    return (x - mu) / jnp.sqrt(v + 1e-6)


def kernel(f_in, pos, batch, t, edge_index, params):
    silu = jax.nn.silu
    src2 = jnp.pad(edge_index[0].reshape(NBATCH, BATCH),
                   ((0, NBATCH_PAD - NBATCH), (0, 0)))
    dst2 = jnp.pad(edge_index[1].reshape(NBATCH, BATCH),
                   ((0, NBATCH_PAD - NBATCH), (0, 0)))

    pos_pad = jnp.pad(pos, ((0, 0), (0, 13)))
    ps = _sc_gather(pos_pad, src2, 16, False)
    pd = _sc_gather(pos_pad, dst2, 16, False)
    edge_vec = ps[:, :3] - pd[:, :3]
    r = jnp.sqrt((edge_vec ** 2).sum(-1) + 1e-12)
    u = edge_vec / r[:, None]
    ux, uy, uz = u[:, 0], u[:, 1], u[:, 2]
    s3 = np.sqrt(3.0); s5 = np.sqrt(5.0); s15 = np.sqrt(15.0)
    zr = jnp.zeros_like(r)
    rshT = jnp.stack([r, jnp.ones_like(ux), s3 * ux, s3 * uy, s3 * uz,
                      s15 * ux * uy, s15 * uy * uz,
                      0.5 * s5 * (3.0 * uz * uz - 1.0), s15 * ux * uz,
                      0.5 * s15 * (ux * ux - uy * uy),
                      zr, zr, zr, zr, zr, zr], axis=0)
    half = TD // 2
    freqs = jnp.exp(-np.log(10000.0) * jnp.arange(half) / (half - 1))
    targs = (t * 10000.0)[:, None] * freqs[None, :]
    temb = jnp.concatenate([jnp.sin(targs), jnp.cos(targs)], axis=1)
    atom_emb = params['atom_table'][f_in] + temb @ params['Wt']
    msg_deg = _tc_edge_deg(rshT, params['Wdeg1'], params['Wdeg2'],
                           _w16(params['Wsh_deg']))
    deg = _segsum(msg_deg, dst2, D) / AVG_DEG
    x = atom_emb + deg

    for i in range(L):
        xn = _ln(x)
        q = xn @ params['Wq_%d' % i]
        kv = xn @ jnp.concatenate([params['Wk_%d' % i], params['Wv_%d' % i]], axis=1)
        kg, vg, qg = _sc_gather_qkv(kv, q, src2, dst2)
        msg, exT = _tc_edge_attn(rshT, kg, vg, qg, params['Wr1_%d' % i],
                                 params['Wr2_%d' % i], _w16(params['Wsh_%d' % i]))
        num = _segsum(msg, dst2, D)
        ex16 = jnp.pad(exT[:H].T, ((0, 0), (0, 16 - H)))
        den = _segsum(ex16, dst2, 16, kq=6, tiled=False)[:, :H]
        agg = (num.reshape(N, H, DH) / (den[:, :, None] + 1e-9)).reshape(N, D)
        agg = agg @ params['Wo_%d' % i]
        x = x + agg
        x = x + silu(_ln(x) @ params['Wf1_%d' % i]) @ params['Wf2_%d' % i]

    feat = _ln(x @ params['Wfeat'])
    out = silu(feat @ params['Wh1']) @ params['Wh2']
    sigma_min, sigma_max = 0.01, 50.0
    std = sigma_min * (sigma_max / sigma_min) ** t
    return -out / std[:, None]

# --- scband reference (transcript-rebuilt; emitter-appended) ---
"""Pipeline reference for scband-siege-25116968747557 (READ-ONLY COPY).

The authoritative reference and input builder live on the scoring server;
editing this copy changes nothing except your own understanding.
"""

import jax, jax.numpy as jnp
import numpy as np

N = 10000
E = 320000
D = 128
H = 4
DH = 32
NB = 128
TD = 64
L = 6
FEAT = 512
MAXR = 30.0
AVG_DEG = 15.57930850982666
NATOM = 20


def _nw(key, i, shape):
    return jax.random.normal(jax.random.fold_in(key, i), shape, dtype=jnp.float32) * (1.0 / np.sqrt(shape[0]))


def setup_inputs(seed: int = 0):
    key = jax.random.key(seed)
    ks = jax.random.split(key, 8)
    f_in = jax.random.randint(ks[0], (N,), 0, NATOM, dtype=jnp.int32)
    pos = jax.random.normal(ks[1], (N, 3), dtype=jnp.float32) * 8.0
    batch = jnp.sort(jax.random.randint(ks[2], (N,), 0, 64, dtype=jnp.int32))
    t = jax.random.uniform(ks[3], (N,), dtype=jnp.float32)
    edge_index = jax.random.randint(ks[4], (2, E), 0, N, dtype=jnp.int32)
    kp = jax.random.fold_in(key, 777)
    p = {}
    p['atom_table'] = _nw(kp, 0, (NATOM, D))
    p['Wt'] = _nw(kp, 1, (TD, D))
    p['Wdeg1'] = _nw(kp, 2, (NB, 64))
    p['Wdeg2'] = _nw(kp, 3, (64, D))
    p['Wsh_deg'] = _nw(kp, 4, (9, D))
    for i in range(L):
        b = 10 + i * 10
        p['Wq_%d' % i] = _nw(kp, b, (D, D))
        p['Wk_%d' % i] = _nw(kp, b + 1, (D, D))
        p['Wv_%d' % i] = _nw(kp, b + 2, (D, D))
        p['Wo_%d' % i] = _nw(kp, b + 3, (D, D))
        p['Wr1_%d' % i] = _nw(kp, b + 4, (NB, 64))
        p['Wr2_%d' % i] = _nw(kp, b + 5, (64, D))
        p['Wsh_%d' % i] = _nw(kp, b + 6, (9, D))
        p['Wf1_%d' % i] = _nw(kp, b + 7, (D, D))
        p['Wf2_%d' % i] = _nw(kp, b + 8, (D, D))
    p['Wfeat'] = _nw(kp, 200, (D, FEAT))
    p['Wh1'] = _nw(kp, 201, (FEAT, FEAT))
    p['Wh2'] = _nw(kp, 202, (FEAT, 3))
    return {'f_in': f_in, 'pos': pos, 'batch': batch, 't': t, 'edge_index': edge_index, 'params': p}


def _ln(x):
    mu = x.mean(-1, keepdims=True)
    v = ((x - mu) ** 2).mean(-1, keepdims=True)
    return (x - mu) / jnp.sqrt(v + 1e-6)


def _forward(pos, t, params, f_in, edge_index):
    silu = jax.nn.silu
    src = edge_index[0]
    dst = edge_index[1]
    edge_vec = pos[src] - pos[dst]
    r = jnp.sqrt((edge_vec ** 2).sum(-1) + 1e-12)
    u = edge_vec / r[:, None]
    ux, uy, uz = u[:, 0], u[:, 1], u[:, 2]
    s3 = np.sqrt(3.0); s5 = np.sqrt(5.0); s15 = np.sqrt(15.0)
    sh = jnp.stack([jnp.ones_like(ux), s3 * ux, s3 * uy, s3 * uz,
                    s15 * ux * uy, s15 * uy * uz, 0.5 * s5 * (3.0 * uz * uz - 1.0),
                    s15 * ux * uz, 0.5 * s15 * (ux * ux - uy * uy)], axis=1)
    centers = jnp.linspace(0.0, MAXR, NB)
    width = MAXR / NB
    rbf = jnp.exp(-(((r[:, None] - centers[None, :]) / width) ** 2))
    half = TD // 2
    freqs = jnp.exp(-np.log(10000.0) * jnp.arange(half) / (half - 1))
    args = (t * 10000.0)[:, None] * freqs[None, :]
    temb = jnp.concatenate([jnp.sin(args), jnp.cos(args)], axis=1)
    atom_emb = params['atom_table'][f_in] + temb @ params['Wt']
    wrad = silu(rbf @ params['Wdeg1']) @ params['Wdeg2']
    shf = sh @ params['Wsh_deg']
    deg = jax.ops.segment_sum(wrad * shf, dst, num_segments=N) / AVG_DEG
    x = atom_emb + deg
    for i in range(L):
        xn = _ln(x)
        q = xn @ params['Wq_%d' % i]
        k = xn @ params['Wk_%d' % i]
        v = xn @ params['Wv_%d' % i]
        gate = silu(rbf @ params['Wr1_%d' % i]) @ params['Wr2_%d' % i]
        shg = sh @ params['Wsh_%d' % i]
        ke = k[src] * gate * shg
        ve = v[src] * gate
        qh = q[dst].reshape(E, H, DH)
        kh = ke.reshape(E, H, DH)
        logits = (qh * kh).sum(-1) / np.sqrt(DH)
        m = jax.ops.segment_max(logits, dst, num_segments=N)
        m = jnp.where(jnp.isfinite(m), m, 0.0)
        ex = jnp.exp(logits - m[dst])
        den = jax.ops.segment_sum(ex, dst, num_segments=N)
        alpha = ex / (den[dst] + 1e-9)
        msg = (ve.reshape(E, H, DH) * alpha[:, :, None]).reshape(E, D)
        agg = jax.ops.segment_sum(msg, dst, num_segments=N) @ params['Wo_%d' % i]
        x = x + agg
        x = x + silu(_ln(x) @ params['Wf1_%d' % i]) @ params['Wf2_%d' % i]
    feat = _ln(x @ params['Wfeat'])
    out = silu(feat @ params['Wh1']) @ params['Wh2']
    sigma_min, sigma_max = 0.01, 50.0
    std = sigma_min * (sigma_max / sigma_min) ** t
    return -out / std[:, None]


def reference(f_in, pos, batch, t, edge_index, params):
    return _forward(pos, t, params, f_in, edge_index)

if __name__ == "__main__":
    import jax
    _d = setup_inputs()
    print(jax.jit(kernel)(*tuple(_d.values())))

</pallas_src>

<mosaic_0001>
#map = affine_map<(d0, d1) -> (0, 0)>
module attributes {stable_mosaic.version = 14 : i64} {
  func.func @k(%arg0: i32, %arg1: i32, %arg2: memref<10000x16xf32, #tpu.memory_space<hbm>>, %arg3: memref<2560x128xi32, #tpu.memory_space<hbm>>, %arg4: memref<320000x16xf32, #tpu.memory_space<hbm>>, %arg5: memref<80x128xi32, #tpu.memory_space<vmem>>, %arg6: memref<6x128x16xf32, #tpu.memory_space<vmem>>, %arg7: memref<6x!tpu.dma_semaphore, #tpu.memory_space<semaphore_mem>>, %arg8: memref<!tpu.dma_semaphore, #tpu.memory_space<semaphore_mem>>) attributes {dimension_semantics = [#tpu.dimension_semantics<core_parallel>, #tpu.dimension_semantics<subcore_parallel>], iteration_bounds = array<i64: 2, 16>, scalar_prefetch = 0 : i64, scratch_operands = 4 : i64, tpu.core_type = #tpu.core_type<sc_vector_subcore>, window_params = [{transform_indices = #map}, {transform_indices = #map}, {transform_indices = #map}]} {
    %mul3A = arith.constant 2 : i32
    %mul3A_0 = arith.muli %arg1, %mul3A : i32
    %add3A = arith.addi %mul3A_0, %arg0 : i32
    %mul3A_1 = arith.constant 80 : i32
    %mul3A_2 = arith.muli %mul3A_1, %add3A : i32
    %multiple_of3A = tpu.assume_multiple %mul3A_2, 8 : i32
    %mul3A_3 = arith.constant 80 : i32
    %mul3A_4 = arith.muli %mul3A_3, %add3A : i32
    %sub3A = arith.constant 2500 : i32
    %sub3A_5 = arith.subi %sub3A, %mul3A_4 : i32
    %jit3A = arith.constant 1 : i32
    %jit3A_6 = arith.constant 80 : i32
    %max3A = arith.maxsi %jit3A, %sub3A_5 : i32
    %min3A = arith.minsi %jit3A_6, %max3A : i32
    "tpu.region"() ({
      %run_scoped3A = tpu.sem_alloc : memref<!tpu.dma_semaphore, #tpu.memory_space<semaphore_mem>>
      %dma_start3A = arith.constant 0 : i32
      %dma_start3A_13 = tpu.memref_slice %arg3[%multiple_of3A, %dma_start3A] : memref<2560x128xi32, #tpu.memory_space<hbm>> -> memref<80x128xi32, #tpu.memory_space<hbm>>
      %dma_start3A_14 = arith.constant 0 : i32
      %dma_start3A_15 = tpu.memref_slice %arg3[%multiple_of3A, %dma_start3A_14] : memref<2560x128xi32, #tpu.memory_space<hbm>> -> memref<80x128xi32, #tpu.memory_space<hbm>>
      tpu.enqueue_dma source(%dma_start3A_15 : memref<80x128xi32, #tpu.memory_space<hbm>>) target(%arg5 : memref<80x128xi32, #tpu.memory_space<vmem>>) target_semaphore(%run_scoped3A : memref<!tpu.dma_semaphore, #tpu.memory_space<semaphore_mem>>)
      %dma_wait3A = arith.constant 0 : i32
      %dma_wait3A_16 = tpu.memref_slice %arg3[%multiple_of3A, %dma_wait3A] : memref<2560x128xi32, #tpu.memory_space<hbm>> -> memref<80x128xi32, #tpu.memory_space<hbm>>
      %dma_wait3A_17 = arith.constant 0 : i32
      %dma_wait3A_18 = tpu.memref_slice %arg3[%multiple_of3A, %dma_wait3A_17] : memref<2560x128xi32, #tpu.memory_space<hbm>> -> memref<80x128xi32, #tpu.memory_space<hbm>>
      tpu.wait_dma2 semaphore(%run_scoped3A : memref<!tpu.dma_semaphore, #tpu.memory_space<semaphore_mem>>) src(%dma_wait3A_18 : memref<80x128xi32, #tpu.memory_space<hbm>>) dst(%arg5 : memref<80x128xi32, #tpu.memory_space<vmem>>)
      tpu.yield
    }) : () -> ()
    %scan3A = arith.constant 0 : i32
    %scan3A_7 = arith.constant 0 : i32
    %scan3A_8 = arith.constant 14 : i32
    %scan3A_9 = arith.addi %scan3A_7, %scan3A_8 : i32
    %scan3A_10 = arith.constant 1 : i32
    %scan3A_11 = scf.for %scan3A_13 = %scan3A_7 to %scan3A_9 step %scan3A_10 iter_args(%scan3A_14 = %scan3A) -> (i32)  : i32 {
      %mul3A_15 = arith.constant 6 : i32
      %mul3A_16 = arith.muli %scan3A_13, %mul3A_15 : i32
      %add3A_17 = arith.constant 0 : i32
      %add3A_18 = arith.addi %mul3A_16, %add3A_17 : i32
      %sub3A_19 = arith.constant 1 : i32
      %sub3A_20 = arith.subi %min3A, %sub3A_19 : i32
      %min3A_21 = arith.minsi %add3A_18, %sub3A_20 : i32
      %mul3A_22 = arith.constant 6 : i32
      %mul3A_23 = arith.muli %scan3A_13, %mul3A_22 : i32
      %add3A_24 = arith.constant 1 : i32
      %add3A_25 = arith.addi %mul3A_23, %add3A_24 : i32
      %sub3A_26 = arith.constant 1 : i32
      %sub3A_27 = arith.subi %min3A, %sub3A_26 : i32
      %min3A_28 = arith.minsi %add3A_25, %sub3A_27 : i32
      %mul3A_29 = arith.constant 6 : i32
      %mul3A_30 = arith.muli %scan3A_13, %mul3A_29 : i32
      %add3A_31 = arith.constant 2 : i32
      %add3A_32 = arith.addi %mul3A_30, %add3A_31 : i32
      %sub3A_33 = arith.constant 1 : i32
      %sub3A_34 = arith.subi %min3A, %sub3A_33 : i32
      %min3A_35 = arith.minsi %add3A_32, %sub3A_34 : i32
      %mul3A_36 = arith.constant 6 : i32
      %mul3A_37 = arith.muli %scan3A_13, %mul3A_36 : i32
      %add3A_38 = arith.constant 3 : i32
      %add3A_39 = arith.addi %mul3A_37, %add3A_38 : i32
      %sub3A_40 = arith.constant 1 : i32
      %sub3A_41 = arith.subi %min3A, %sub3A_40 : i32
      %min3A_42 = arith.minsi %add3A_39, %sub3A_41 : i32
      %mul3A_43 = arith.constant 6 : i32
      %mul3A_44 = arith.muli %scan3A_13, %mul3A_43 : i32
      %add3A_45 = arith.constant 4 : i32
      %add3A_46 = arith.addi %mul3A_44, %add3A_45 : i32
      %sub3A_47 = arith.constant 1 : i32
      %sub3A_48 = arith.subi %min3A, %sub3A_47 : i32
      %min3A_49 = arith.minsi %add3A_46, %sub3A_48 : i32
      %mul3A_50 = arith.constant 6 : i32
      %mul3A_51 = arith.muli %scan3A_13, %mul3A_50 : i32
      %add3A_52 = arith.constant 5 : i32
      %add3A_53 = arith.addi %mul3A_51, %add3A_52 : i32
      %sub3A_54 = arith.constant 1 : i32
      %sub3A_55 = arith.subi %min3A, %sub3A_54 : i32
      %min3A_56 = arith.minsi %add3A_53, %sub3A_55 : i32
      %add3A_57 = arith.addi %multiple_of3A, %min3A_21 : i32
      %mul3A_58 = arith.constant 128 : i32
      %mul3A_59 = arith.muli %add3A_57, %mul3A_58 : i32
      %multiple_of3A_60 = tpu.assume_multiple %mul3A_59, 8 : i32
      %add3A_61 = arith.addi %multiple_of3A, %min3A_28 : i32
      %mul3A_62 = arith.constant 128 : i32
      %mul3A_63 = arith.muli %add3A_61, %mul3A_62 : i32
      %multiple_of3A_64 = tpu.assume_multiple %mul3A_63, 8 : i32
      %add3A_65 = arith.addi %multiple_of3A, %min3A_35 : i32
      %mul3A_66 = arith.constant 128 : i32
      %mul3A_67 = arith.muli %add3A_65, %mul3A_66 : i32
      %multiple_of3A_68 = tpu.assume_multiple %mul3A_67, 8 : i32
      %add3A_69 = arith.addi %multiple_of3A, %min3A_42 : i32
      %mul3A_70 = arith.constant 128 : i32
      %mul3A_71 = arith.muli %add3A_69, %mul3A_70 : i32
      %multiple_of3A_72 = tpu.assume_multiple %mul3A_71, 8 : i32
      %add3A_73 = arith.addi %multiple_of3A, %min3A_49 : i32
      %mul3A_74 = arith.constant 128 : i32
      %mul3A_75 = arith.muli %add3A_73, %mul3A_74 : i32
      %multiple_of3A_76 = tpu.assume_multiple %mul3A_75, 8 : i32
      %add3A_77 = arith.addi %multiple_of3A, %min3A_56 : i32
      %mul3A_78 = arith.constant 128 : i32
      %mul3A_79 = arith.muli %add3A_77, %mul3A_78 : i32
      %multiple_of3A_80 = tpu.assume_multiple %mul3A_79, 8 : i32
      %dma_start3A = arith.constant 0 : i32
      %dma_start3A_81 = arith.constant 0 : i32
      %dma_start3A_82 = arith.constant 0 : i32
      %dma_start3A_83 = arith.constant 0 : i32
      %dma_start3A_84 = tpu.memref_slice %arg6[%dma_start3A, %dma_start3A_82, %dma_start3A_83] : memref<6x128x16xf32, #tpu.memory_space<vmem>> -> memref<1x128x16xf32, #tpu.memory_space<vmem>>
      %dma_start3A_85 = tpu.memref_squeeze %dma_start3A_84 : memref<1x128x16xf32, #tpu.memory_space<vmem>> -> memref<128x16xf32, #tpu.memory_space<vmem>>
      %dma_start3A_86 = arith.constant 0 : i32
      %dma_start3A_87 = tpu.memref_slice %arg5[%min3A_21, %dma_start3A_86] : memref<80x128xi32, #tpu.memory_space<vmem>> -> memref<1x128xi32, #tpu.memory_space<vmem>>
      %dma_start3A_88 = tpu.memref_squeeze %dma_start3A_87 : memref<1x128xi32, #tpu.memory_space<vmem>> -> memref<128xi32, #tpu.memory_space<vmem>>
      %dma_start3A_89 = arith.constant 0 : i32
      %dma_start3A_90 = arith.constant 0 : i32
      %dma_start3A_91 = tpu.memref_slice %arg2[%dma_start3A_89, %dma_start3A_90] : memref<10000x16xf32, #tpu.memory_space<hbm>> -> memref<10000x16xf32, #tpu.memory_space<hbm>>
      %dma_start3A_92 = tpu.memref_slice %arg7[%dma_start3A_81] : memref<6x!tpu.dma_semaphore, #tpu.memory_space<semaphore_mem>> -> memref<1x!tpu.dma_semaphore, #tpu.memory_space<semaphore_mem>>
      %dma_start3A_93 = tpu.memref_squeeze %dma_start3A_92 : memref<1x!tpu.dma_semaphore, #tpu.memory_space<semaphore_mem>> -> memref<!tpu.dma_semaphore, #tpu.memory_space<semaphore_mem>>
      tpu.enqueue_indirect_dma source(%dma_start3A_91 : memref<10000x16xf32, #tpu.memory_space<hbm>>) target(%dma_start3A_85 : memref<128x16xf32, #tpu.memory_space<vmem>>) offsets(%dma_start3A_88 : memref<128xi32, #tpu.memory_space<vmem>>) semaphore(%dma_start3A_93 : memref<!tpu.dma_semaphore, #tpu.memory_space<semaphore_mem>>)
      %dma_start3A_94 = arith.constant 1 : i32
      %dma_start3A_95 = arith.constant 1 : i32
      %dma_start3A_96 = arith.constant 0 : i32
      %dma_start3A_97 = arith.constant 0 : i32
      %dma_start3A_98 = tpu.memref_slice %arg6[%dma_start3A_94, %dma_start3A_96, %dma_start3A_97] : memref<6x128x16xf32, #tpu.memory_space<vmem>> -> memref<1x128x16xf32, #tpu.memory_space<vmem>>
      %dma_start3A_99 = tpu.memref_squeeze %dma_start3A_98 : memref<1x128x16xf32, #tpu.memory_space<vmem>> -> memref<128x16xf32, #tpu.memory_space<vmem>>
      %dma_start3A_100 = arith.constant 0 : i32
      %dma_start3A_101 = tpu.memref_slice %arg5[%min3A_28, %dma_start3A_100] : memref<80x128xi32, #tpu.memory_space<vmem>> -> memref<1x128xi32, #tpu.memory_space<vmem>>
      %dma_start3A_102 = tpu.memref_squeeze %dma_start3A_101 : memref<1x128xi32, #tpu.memory_space<vmem>> -> memref<128xi32, #tpu.memory_space<vmem>>
      %dma_start3A_103 = arith.constant 0 : i32
      %dma_start3A_104 = arith.constant 0 : i32
      %dma_start3A_105 = tpu.memref_slice %arg2[%dma_start3A_103, %dma_start3A_104] : memref<10000x16xf32, #tpu.memory_space<hbm>> -> memref<10000x16xf32, #tpu.memory_space<hbm>>
      %dma_start3A_106 = tpu.memref_slice %arg7[%dma_start3A_95] : memref<6x!tpu.dma_semaphore, #tpu.memory_space<semaphore_mem>> -> memref<1x!tpu.dma_semaphore, #tpu.memory_space<semaphore_mem>>
      %dma_start3A_107 = tpu.memref_squeeze %dma_start3A_106 : memref<1x!tpu.dma_semaphore, #tpu.memory_space<semaphore_mem>> -> memref<!tpu.dma_semaphore, #tpu.memory_space<semaphore_mem>>
      tpu.enqueue_indirect_dma source(%dma_start3A_105 : memref<10000x16xf32, #tpu.memory_space<hbm>>) target(%dma_start3A_99 : memref<128x16xf32, #tpu.memory_space<vmem>>) offsets(%dma_start3A_102 : memref<128xi32, #tpu.memory_space<vmem>>) semaphore(%dma_start3A_107 : memref<!tpu.dma_semaphore, #tpu.memory_space<semaphore_mem>>)
      %dma_start3A_108 = arith.constant 2 : i32
      %dma_start3A_109 = arith.constant 2 : i32
      %dma_start3A_110 = arith.constant 0 : i32
      %dma_start3A_111 = arith.constant 0 : i32
      %dma_start3A_112 = tpu.memref_slice %arg6[%dma_start3A_108, %dma_start3A_110, %dma_start3A_111] : memref<6x128x16xf32, #tpu.memory_space<vmem>> -> memref<1x128x16xf32, #tpu.memory_space<vmem>>
      %dma_start3A_113 = tpu.memref_squeeze %dma_start3A_112 : memref<1x128x16xf32, #tpu.memory_space<vmem>> -> memref<128x16xf32, #tpu.memory_space<vmem>>
      %dma_start3A_114 = arith.constant 0 : i32
      %dma_start3A_115 = tpu.memref_slice %arg5[%min3A_35, %dma_start3A_114] : memref<80x128xi32, #tpu.memory_space<vmem>> -> memref<1x128xi32, #tpu.memory_space<vmem>>
      %dma_start3A_116 = tpu.memref_squeeze %dma_start3A_115 : memref<1x128xi32, #tpu.memory_space<vmem>> -> memref<128xi32, #tpu.memory_space<vmem>>
      %dma_start3A_117 = arith.constant 0 : i32
      %dma_start3A_118 = arith.constant 0 : i32
      %dma_start3A_119 = tpu.memref_slice %arg2[%dma_start3A_117, %dma_start3A_118] : memref<10000x16xf32, #tpu.memory_space<hbm>> -> memref<10000x16xf32, #tpu.memory_space<hbm>>
      %dma_start3A_120 = tpu.memref_slice %arg7[%dma_start3A_109] : memref<6x!tpu.dma_semaphore, #tpu.memory_space<semaphore_mem>> -> memref<1x!tpu.dma_semaphore, #tpu.memory_space<semaphore_mem>>
      %dma_start3A_121 = tpu.memref_squeeze %dma_start3A_120 : memref<1x!tpu.dma_semaphore, #tpu.memory_space<semaphore_mem>> -> memref<!tpu.dma_semaphore, #tpu.memory_space<semaphore_mem>>
      tpu.enqueue_indirect_dma source(%dma_start3A_119 : memref<10000x16xf32, #tpu.memory_space<hbm>>) target(%dma_start3A_113 : memref<128x16xf32, #tpu.memory_space<vmem>>) offsets(%dma_start3A_116 : memref<128xi32, #tpu.memory_space<vmem>>) semaphore(%dma_start3A_121 : memref<!tpu.dma_semaphore, #tpu.memory_space<semaphore_mem>>)
      %dma_start3A_122 = arith.constant 3 : i32
      %dma_start3A_123 = arith.constant 3 : i32
      %dma_start3A_124 = arith.constant 0 : i32
      %dma_start3A_125 = arith.constant 0 : i32
      %dma_start3A_126 = tpu.memref_slice %arg6[%dma_start3A_122, %dma_start3A_124, %dma_start3A_125] : memref<6x128x16xf32, #tpu.memory_space<vmem>> -> memref<1x128x16xf32, #tpu.memory_space<vmem>>
      %dma_start3A_127 = tpu.memref_squeeze %dma_start3A_126 : memref<1x128x16xf32, #tpu.memory_space<vmem>> -> memref<128x16xf32, #tpu.memory_space<vmem>>
      %dma_start3A_128 = arith.constant 0 : i32
      %dma_start3A_129 = tpu.memref_slice %arg5[%min3A_42, %dma_start3A_128] : memref<80x128xi32, #tpu.memory_space<vmem>> -> memref<1x128xi32, #tpu.memory_space<vmem>>
      %dma_start3A_130 = tpu.memref_squeeze %dma_start3A_129 : memref<1x128xi32, #tpu.memory_space<vmem>> -> memref<128xi32, #tpu.memory_space<vmem>>
      %dma_start3A_131 = arith.constant 0 : i32
      %dma_start3A_132 = arith.constant 0 : i32
      %dma_start3A_133 = tpu.memref_slice %arg2[%dma_start3A_131, %dma_start3A_132] : memref<10000x16xf32, #tpu.memory_space<hbm>> -> memref<10000x16xf32, #tpu.memory_space<hbm>>
      %dma_start3A_134 = tpu.memref_slice %arg7[%dma_start3A_123] : memref<6x!tpu.dma_semaphore, #tpu.memory_space<semaphore_mem>> -> memref<1x!tpu.dma_semaphore, #tpu.memory_space<semaphore_mem>>
      %dma_start3A_135 = tpu.memref_squeeze %dma_start3A_134 : memref<1x!tpu.dma_semaphore, #tpu.memory_space<semaphore_mem>> -> memref<!tpu.dma_semaphore, #tpu.memory_space<semaphore_mem>>
      tpu.enqueue_indirect_dma source(%dma_start3A_133 : memref<10000x16xf32, #tpu.memory_space<hbm>>) target(%dma_start3A_127 : memref<128x16xf32, #tpu.memory_space<vmem>>) offsets(%dma_start3A_130 : memref<128xi32, #tpu.memory_space<vmem>>) semaphore(%dma_start3A_135 : memref<!tpu.dma_semaphore, #tpu.memory_space<semaphore_mem>>)
      %dma_start3A_136 = arith.constant 4 : i32
      %dma_start3A_137 = arith.constant 4 : i32
      %dma_start3A_138 = arith.constant 0 : i32
      %dma_start3A_139 = arith.constant 0 : i32
      %dma_start3A_140 = tpu.memref_slice %arg6[%dma_start3A_136, %dma_start3A_138, %dma_start3A_139] : memref<6x128x16xf32, #tpu.memory_space<vmem>> -> memref<1x128x16xf32, #tpu.memory_space<vmem>>
      %dma_start3A_141 = tpu.memref_squeeze %dma_start3A_140 : memref<1x128x16xf32, #tpu.memory_space<vmem>> -> memref<128x16xf32, #tpu.memory_space<vmem>>
      %dma_start3A_142 = arith.constant 0 : i32
      %dma_start3A_143 = tpu.memref_slice %arg5[%min3A_49, %dma_start3A_142] : memref<80x128xi32, #tpu.memory_space<vmem>> -> memref<1x128xi32, #tpu.memory_space<vmem>>
      %dma_start3A_144 = tpu.memref_squeeze %dma_start3A_143 : memref<1x128xi32, #tpu.memory_space<vmem>> -> memref<128xi32, #tpu.memory_space<vmem>>
      %dma_start3A_145 = arith.constant 0 : i32
      %dma_start3A_146 = arith.constant 0 : i32
      %dma_start3A_147 = tpu.memref_slice %arg2[%dma_start3A_145, %dma_start3A_146] : memref<10000x16xf32, #tpu.memory_space<hbm>> -> memref<10000x16xf32, #tpu.memory_space<hbm>>
      %dma_start3A_148 = tpu.memref_slice %arg7[%dma_start3A_137] : memref<6x!tpu.dma_semaphore, #tpu.memory_space<semaphore_mem>> -> memref<1x!tpu.dma_semaphore, #tpu.memory_space<semaphore_mem>>
      %dma_start3A_149 = tpu.memref_squeeze %dma_start3A_148 : memref<1x!tpu.dma_semaphore, #tpu.memory_space<semaphore_mem>> -> memref<!tpu.dma_semaphore, #tpu.memory_space<semaphore_mem>>
      tpu.enqueue_indirect_dma source(%dma_start3A_147 : memref<10000x16xf32, #tpu.memory_space<hbm>>) target(%dma_start3A_141 : memref<128x16xf32, #tpu.memory_space<vmem>>) offsets(%dma_start3A_144 : memref<128xi32, #tpu.memory_space<vmem>>) semaphore(%dma_start3A_149 : memref<!tpu.dma_semaphore, #tpu.memory_space<semaphore_mem>>)
      %dma_start3A_150 = arith.constant 5 : i32
      %dma_start3A_151 = arith.constant 5 : i32
      %dma_start3A_152 = arith.constant 0 : i32
      %dma_start3A_153 = arith.constant 0 : i32
      %dma_start3A_154 = tpu.memref_slice %arg6[%dma_start3A_150, %dma_start3A_152, %dma_start3A_153] : memref<6x128x16xf32, #tpu.memory_space<vmem>> -> memref<1x128x16xf32, #tpu.memory_space<vmem>>
      %dma_start3A_155 = tpu.memref_squeeze %dma_start3A_154 : memref<1x128x16xf32, #tpu.memory_space<vmem>> -> memref<128x16xf32, #tpu.memory_space<vmem>>
      %dma_start3A_156 = arith.constant 0 : i32
      %dma_start3A_157 = tpu.memref_slice %arg5[%min3A_56, %dma_start3A_156] : memref<80x128xi32, #tpu.memory_space<vmem>> -> memref<1x128xi32, #tpu.memory_space<vmem>>
      %dma_start3A_158 = tpu.memref_squeeze %dma_start3A_157 : memref<1x128xi32, #tpu.memory_space<vmem>> -> memref<128xi32, #tpu.memory_space<vmem>>
      %dma_start3A_159 = arith.constant 0 : i32
      %dma_start3A_160 = arith.constant 0 : i32
      %dma_start3A_161 = tpu.memref_slice %arg2[%dma_start3A_159, %dma_start3A_160] : memref<10000x16xf32, #tpu.memory_space<hbm>> -> memref<10000x16xf32, #tpu.memory_space<hbm>>
      %dma_start3A_162 = tpu.memref_slice %arg7[%dma_start3A_151] : memref<6x!tpu.dma_semaphore, #tpu.memory_space<semaphore_mem>> -> memref<1x!tpu.dma_semaphore, #tpu.memory_space<semaphore_mem>>
      %dma_start3A_163 = tpu.memref_squeeze %dma_start3A_162 : memref<1x!tpu.dma_semaphore, #tpu.memory_space<semaphore_mem>> -> memref<!tpu.dma_semaphore, #tpu.memory_space<semaphore_mem>>
      tpu.enqueue_indirect_dma source(%dma_start3A_161 : memref<10000x16xf32, #tpu.memory_space<hbm>>) target(%dma_start3A_155 : memref<128x16xf32, #tpu.memory_space<vmem>>) offsets(%dma_start3A_158 : memref<128xi32, #tpu.memory_space<vmem>>) semaphore(%dma_start3A_163 : memref<!tpu.dma_semaphore, #tpu.memory_space<semaphore_mem>>)
      %dma_wait3A = arith.constant 0 : i32
      %dma_wait3A_164 = arith.constant 0 : i32
      %dma_wait3A_165 = arith.constant 0 : i32
      %dma_wait3A_166 = arith.constant 0 : i32
      %dma_wait3A_167 = tpu.memref_slice %arg6[%dma_wait3A, %dma_wait3A_165, %dma_wait3A_166] : memref<6x128x16xf32, #tpu.memory_space<vmem>> -> memref<1x128x16xf32, #tpu.memory_space<vmem>>
      %dma_wait3A_168 = tpu.memref_squeeze %dma_wait3A_167 : memref<1x128x16xf32, #tpu.memory_space<vmem>> -> memref<128x16xf32, #tpu.memory_space<vmem>>
      %dma_wait3A_169 = arith.constant 0 : i32
      %dma_wait3A_170 = tpu.memref_slice %arg5[%min3A_21, %dma_wait3A_169] : memref<80x128xi32, #tpu.memory_space<vmem>> -> memref<1x128xi32, #tpu.memory_space<vmem>>
      %dma_wait3A_171 = tpu.memref_squeeze %dma_wait3A_170 : memref<1x128xi32, #tpu.memory_space<vmem>> -> memref<128xi32, #tpu.memory_space<vmem>>
      %dma_wait3A_172 = arith.constant 0 : i32
      %dma_wait3A_173 = arith.constant 0 : i32
      %dma_wait3A_174 = tpu.memref_slice %arg2[%dma_wait3A_172, %dma_wait3A_173] : memref<10000x16xf32, #tpu.memory_space<hbm>> -> memref<10000x16xf32, #tpu.memory_space<hbm>>
      %dma_wait3A_175 = tpu.memref_slice %arg7[%dma_wait3A_164] : memref<6x!tpu.dma_semaphore, #tpu.memory_space<semaphore_mem>> -> memref<1x!tpu.dma_semaphore, #tpu.memory_space<semaphore_mem>>
      %dma_wait3A_176 = tpu.memref_squeeze %dma_wait3A_175 : memref<1x!tpu.dma_semaphore, #tpu.memory_space<semaphore_mem>> -> memref<!tpu.dma_semaphore, #tpu.memory_space<semaphore_mem>>
      tpu.wait_indirect_dma semaphore(%dma_wait3A_176 : memref<!tpu.dma_semaphore, #tpu.memory_space<semaphore_mem>>) src(%dma_wait3A_174 : memref<10000x16xf32, #tpu.memory_space<hbm>>) dst(%dma_wait3A_168 : memref<128x16xf32, #tpu.memory_space<vmem>>)
      %dma_start3A_177 = arith.constant 0 : i32
      %dma_start3A_178 = arith.constant 0 : i32
      %dma_start3A_179 = arith.constant 0 : i32
      %dma_start3A_180 = tpu.memref_slice %arg6[%dma_start3A_177, %dma_start3A_178, %dma_start3A_179] : memref<6x128x16xf32, #tpu.memory_space<vmem>> -> memref<1x128x16xf32, #tpu.memory_space<vmem>>
      %dma_start3A_181 = tpu.memref_squeeze %dma_start3A_180 : memref<1x128x16xf32, #tpu.memory_space<vmem>> -> memref<128x16xf32, #tpu.memory_space<vmem>>
      %dma_start3A_182 = arith.constant 0 : i32
      %dma_start3A_183 = tpu.memref_slice %arg4[%multiple_of3A_60, %dma_start3A_182] : memref<320000x16xf32, #tpu.memory_space<hbm>> -> memref<128x16xf32, #tpu.memory_space<hbm>>
      %dma_start3A_184 = arith.constant 0 : i32
      %dma_start3A_185 = tpu.memref_slice %arg4[%multiple_of3A_60, %dma_start3A_184] : memref<320000x16xf32, #tpu.memory_space<hbm>> -> memref<128x16xf32, #tpu.memory_space<hbm>>
      %dma_start3A_186 = arith.constant 0 : i32
      %dma_start3A_187 = arith.constant 0 : i32
      %dma_start3A_188 = tpu.memref_slice %arg6[%dma_start3A_177, %dma_start3A_186, %dma_start3A_187] : memref<6x128x16xf32, #tpu.memory_space<vmem>> -> memref<1x128x16xf32, #tpu.memory_space<vmem>>
      %dma_start3A_189 = tpu.memref_squeeze %dma_start3A_188 : memref<1x128x16xf32, #tpu.memory_space<vmem>> -> memref<128x16xf32, #tpu.memory_space<vmem>>
      tpu.enqueue_dma source(%dma_start3A_189 : memref<128x16xf32, #tpu.memory_space<vmem>>) target(%dma_start3A_185 : memref<128x16xf32, #tpu.memory_space<hbm>>) target_semaphore(%arg8 : memref<!tpu.dma_semaphore, #tpu.memory_space<semaphore_mem>>)
      %dma_wait3A_190 = arith.constant 1 : i32
      %dma_wait3A_191 = arith.constant 1 : i32
      %dma_wait3A_192 = arith.constant 0 : i32
      %dma_wait3A_193 = arith.constant 0 : i32
      %dma_wait3A_194 = tpu.memref_slice %arg6[%dma_wait3A_190, %dma_wait3A_192, %dma_wait3A_193] : memref<6x128x16xf32, #tpu.memory_space<vmem>> -> memref<1x128x16xf32, #tpu.memory_space<vmem>>
      %dma_wait3A_195 = tpu.memref_squeeze %dma_wait3A_194 : memref<1x128x16xf32, #tpu.memory_space<vmem>> -> memref<128x16xf32, #tpu.memory_space<vmem>>
      %dma_wait3A_196 = arith.constant 0 : i32
      %dma_wait3A_197 = tpu.memref_slice %arg5[%min3A_28, %dma_wait3A_196] : memref<80x128xi32, #tpu.memory_space<vmem>> -> memref<1x128xi32, #tpu.memory_space<vmem>>
      %dma_wait3A_198 = tpu.memref_squeeze %dma_wait3A_197 : memref<1x128xi32, #tpu.memory_space<vmem>> -> memref<128xi32, #tpu.memory_space<vmem>>
      %dma_wait3A_199 = arith.constant 0 : i32
      %dma_wait3A_200 = arith.constant 0 : i32
      %dma_wait3A_201 = tpu.memref_slice %arg2[%dma_wait3A_199, %dma_wait3A_200] : memref<10000x16xf32, #tpu.memory_space<hbm>> -> memref<10000x16xf32, #tpu.memory_space<hbm>>
      %dma_wait3A_202 = tpu.memref_slice %arg7[%dma_wait3A_191] : memref<6x!tpu.dma_semaphore, #tpu.memory_space<semaphore_mem>> -> memref<1x!tpu.dma_semaphore, #tpu.memory_space<semaphore_mem>>
      %dma_wait3A_203 = tpu.memref_squeeze %dma_wait3A_202 : memref<1x!tpu.dma_semaphore, #tpu.memory_space<semaphore_mem>> -> memref<!tpu.dma_semaphore, #tpu.memory_space<semaphore_mem>>
      tpu.wait_indirect_dma semaphore(%dma_wait3A_203 : memref<!tpu.dma_semaphore, #tpu.memory_space<semaphore_mem>>) src(%dma_wait3A_201 : memref<10000x16xf32, #tpu.memory_space<hbm>>) dst(%dma_wait3A_195 : memref<128x16xf32, #tpu.memory_space<vmem>>)
      %dma_start3A_204 = arith.constant 1 : i32
      %dma_start3A_205 = arith.constant 0 : i32
      %dma_start3A_206 = arith.constant 0 : i32
      %dma_start3A_207 = tpu.memref_slice %arg6[%dma_start3A_204, %dma_start3A_205, %dma_start3A_206] : memref<6x128x16xf32, #tpu.memory_space<vmem>> -> memref<1x128x16xf32, #tpu.memory_space<vmem>>
      %dma_start3A_208 = tpu.memref_squeeze %dma_start3A_207 : memref<1x128x16xf32, #tpu.memory_space<vmem>> -> memref<128x16xf32, #tpu.memory_space<vmem>>
      %dma_start3A_209 = arith.constant 0 : i32
      %dma_start3A_210 = tpu.memref_slice %arg4[%multiple_of3A_64, %dma_start3A_209] : memref<320000x16xf32, #tpu.memory_space<hbm>> -> memref<128x16xf32, #tpu.memory_space<hbm>>
      %dma_start3A_211 = arith.constant 0 : i32
      %dma_start3A_212 = tpu.memref_slice %arg4[%multiple_of3A_64, %dma_start3A_211] : memref<320000x16xf32, #tpu.memory_space<hbm>> -> memref<128x16xf32, #tpu.memory_space<hbm>>
      %dma_start3A_213 = arith.constant 0 : i32
      %dma_start3A_214 = arith.constant 0 : i32
      %dma_start3A_215 = tpu.memref_slice %arg6[%dma_start3A_204, %dma_start3A_213, %dma_start3A_214] : memref<6x128x16xf32, #tpu.memory_space<vmem>> -> memref<1x128x16xf32, #tpu.memory_space<vmem>>
      %dma_start3A_216 = tpu.memref_squeeze %dma_start3A_215 : memref<1x128x16xf32, #tpu.memory_space<vmem>> -> memref<128x16xf32, #tpu.memory_space<vmem>>
      tpu.enqueue_dma source(%dma_start3A_216 : memref<128x16xf32, #tpu.memory_space<vmem>>) target(%dma_start3A_212 : memref<128x16xf32, #tpu.memory_space<hbm>>) target_semaphore(%arg8 : memref<!tpu.dma_semaphore, #tpu.memory_space<semaphore_mem>>)
      %dma_wait3A_217 = arith.constant 2 : i32
      %dma_wait3A_218 = arith.constant 2 : i32
      %dma_wait3A_219 = arith.constant 0 : i32
      %dma_wait3A_220 = arith.constant 0 : i32
      %dma_wait3A_221 = tpu.memref_slice %arg6[%dma_wait3A_217, %dma_wait3A_219, %dma_wait3A_220] : memref<6x128x16xf32, #tpu.memory_space<vmem>> -> memref<1x128x16xf32, #tpu.memory_space<vmem>>
      %dma_wait3A_222 = tpu.memref_squeeze %dma_wait3A_221 : memref<1x128x16xf32, #tpu.memory_space<vmem>> -> memref<128x16xf32, #tpu.memory_space<vmem>>
      %dma_wait3A_223 = arith.constant 0 : i32
      %dma_wait3A_224 = tpu.memref_slice %arg5[%min3A_35, %dma_wait3A_223] : memref<80x128xi32, #tpu.memory_space<vmem>> -> memref<1x128xi32, #tpu.memory_space<vmem>>
      %dma_wait3A_225 = tpu.memref_squeeze %dma_wait3A_224 : memref<1x128xi32, #tpu.memory_space<vmem>> -> memref<128xi32, #tpu.memory_space<vmem>>
      %dma_wait3A_226 = arith.constant 0 : i32
      %dma_wait3A_227 = arith.constant 0 : i32
      %dma_wait3A_228 = tpu.memref_slice %arg2[%dma_wait3A_226, %dma_wait3A_227] : memref<10000x16xf32, #tpu.memory_space<hbm>> -> memref<10000x16xf32, #tpu.memory_space<hbm>>
      %dma_wait3A_229 = tpu.memref_slice %arg7[%dma_wait3A_218] : memref<6x!tpu.dma_semaphore, #tpu.memory_space<semaphore_mem>> -> memref<1x!tpu.dma_semaphore, #tpu.memory_space<semaphore_mem>>
      %dma_wait3A_230 = tpu.memref_squeeze %dma_wait3A_229 : memref<1x!tpu.dma_semaphore, #tpu.memory_space<semaphore_mem>> -> memref<!tpu.dma_semaphore, #tpu.memory_space<semaphore_mem>>
      tpu.wait_indirect_dma semaphore(%dma_wait3A_230 : memref<!tpu.dma_semaphore, #tpu.memory_space<semaphore_mem>>) src(%dma_wait3A_228 : memref<10000x16xf32, #tpu.memory_space<hbm>>) dst(%dma_wait3A_222 : memref<128x16xf32, #tpu.memory_space<vmem>>)
      %dma_start3A_231 = arith.constant 2 : i32
      %dma_start3A_232 = arith.constant 0 : i32
      %dma_start3A_233 = arith.constant 0 : i32
      %dma_start3A_234 = tpu.memref_slice %arg6[%dma_start3A_231, %dma_start3A_232, %dma_start3A_233] : memref<6x128x16xf32, #tpu.memory_space<vmem>> -> memref<1x128x16xf32, #tpu.memory_space<vmem>>
      %dma_start3A_235 = tpu.memref_squeeze %dma_start3A_234 : memref<1x128x16xf32, #tpu.memory_space<vmem>> -> memref<128x16xf32, #tpu.memory_space<vmem>>
      %dma_start3A_236 = arith.constant 0 : i32
      %dma_start3A_237 = tpu.memref_slice %arg4[%multiple_of3A_68, %dma_start3A_236] : memref<320000x16xf32, #tpu.memory_space<hbm>> -> memref<128x16xf32, #tpu.memory_space<hbm>>
      %dma_start3A_238 = arith.constant 0 : i32
      %dma_start3A_239 = tpu.memref_slice %arg4[%multiple_of3A_68, %dma_start3A_238] : memref<320000x16xf32, #tpu.memory_space<hbm>> -> memref<128x16xf32, #tpu.memory_space<hbm>>
      %dma_start3A_240 = arith.constant 0 : i32
      %dma_start3A_241 = arith.constant 0 : i32
      %dma_start3A_242 = tpu.memref_slice %arg6[%dma_start3A_231, %dma_start3A_240, %dma_start3A_241] : memref<6x128x16xf32, #tpu.memory_space<vmem>> -> memref<1x128x16xf32, #tpu.memory_space<vmem>>
      %dma_start3A_243 = tpu.memref_squeeze %dma_start3A_242 : memref<1x128x16xf32, #tpu.memory_space<vmem>> -> memref<128x16xf32, #tpu.memory_space<vmem>>
      tpu.enqueue_dma source(%dma_start3A_243 : memref<128x16xf32, #tpu.memory_space<vmem>>) target(%dma_start3A_239 : memref<128x16xf32, #tpu.memory_space<hbm>>) target_semaphore(%arg8 : memref<!tpu.dma_semaphore, #tpu.memory_space<semaphore_mem>>)
      %dma_wait3A_244 = arith.constant 3 : i32
      %dma_wait3A_245 = arith.constant 3 : i32
      %dma_wait3A_246 = arith.constant 0 : i32
      %dma_wait3A_247 = arith.constant 0 : i32
      %dma_wait3A_248 = tpu.memref_slice %arg6[%dma_wait3A_244, %dma_wait3A_246, %dma_wait3A_247] : memref<6x128x16xf32, #tpu.memory_space<vmem>> -> memref<1x128x16xf32, #tpu.memory_space<vmem>>
      %dma_wait3A_249 = tpu.memref_squeeze %dma_wait3A_248 : memref<1x128x16xf32, #tpu.memory_space<vmem>> -> memref<128x16xf32, #tpu.memory_space<vmem>>
      %dma_wait3A_250 = arith.constant 0 : i32
      %dma_wait3A_251 = tpu.memref_slice %arg5[%min3A_42, %dma_wait3A_250] : memref<80x128xi32, #tpu.memory_space<vmem>> -> memref<1x128xi32, #tpu.memory_space<vmem>>
      %dma_wait3A_252 = tpu.memref_squeeze %dma_wait3A_251 : memref<1x128xi32, #tpu.memory_space<vmem>> -> memref<128xi32, #tpu.memory_space<vmem>>
      %dma_wait3A_253 = arith.constant 0 : i32
      %dma_wait3A_254 = arith.constant 0 : i32
      %dma_wait3A_255 = tpu.memref_slice %arg2[%dma_wait3A_253, %dma_wait3A_254] : memref<10000x16xf32, #tpu.memory_space<hbm>> -> memref<10000x16xf32, #tpu.memory_space<hbm>>
      %dma_wait3A_256 = tpu.memref_slice %arg7[%dma_wait3A_245] : memref<6x!tpu.dma_semaphore, #tpu.memory_space<semaphore_mem>> -> memref<1x!tpu.dma_semaphore, #tpu.memory_space<semaphore_mem>>
      %dma_wait3A_257 = tpu.memref_squeeze %dma_wait3A_256 : memref<1x!tpu.dma_semaphore, #tpu.memory_space<semaphore_mem>> -> memref<!tpu.dma_semaphore, #tpu.memory_space<semaphore_mem>>
      tpu.wait_indirect_dma semaphore(%dma_wait3A_257 : memref<!tpu.dma_semaphore, #tpu.memory_space<semaphore_mem>>) src(%dma_wait3A_255 : memref<10000x16xf32, #tpu.memory_space<hbm>>) dst(%dma_wait3A_249 : memref<128x16xf32, #tpu.memory_space<vmem>>)
      %dma_start3A_258 = arith.constant 3 : i32
      %dma_start3A_259 = arith.constant 0 : i32
      %dma_start3A_260 = arith.constant 0 : i32
      %dma_start3A_261 = tpu.memref_slice %arg6[%dma_start3A_258, %dma_start3A_259, %dma_start3A_260] : memref<6x128x16xf32, #tpu.memory_space<vmem>> -> memref<1x128x16xf32, #tpu.memory_space<vmem>>
      %dma_start3A_262 = tpu.memref_squeeze %dma_start3A_261 : memref<1x128x16xf32, #tpu.memory_space<vmem>> -> memref<128x16xf32, #tpu.memory_space<vmem>>
      %dma_start3A_263 = arith.constant 0 : i32
      %dma_start3A_264 = tpu.memref_slice %arg4[%multiple_of3A_72, %dma_start3A_263] : memref<320000x16xf32, #tpu.memory_space<hbm>> -> memref<128x16xf32, #tpu.memory_space<hbm>>
      %dma_start3A_265 = arith.constant 0 : i32
      %dma_start3A_266 = tpu.memref_slice %arg4[%multiple_of3A_72, %dma_start3A_265] : memref<320000x16xf32, #tpu.memory_space<hbm>> -> memref<128x16xf32, #tpu.memory_space<hbm>>
      %dma_start3A_267 = arith.constant 0 : i32
      %dma_start3A_268 = arith.constant 0 : i32
      %dma_start3A_269 = tpu.memref_slice %arg6[%dma_start3A_258, %dma_start3A_267, %dma_start3A_268] : memref<6x128x16xf32, #tpu.memory_space<vmem>> -> memref<1x128x16xf32, #tpu.memory_space<vmem>>
      %dma_start3A_270 = tpu.memref_squeeze %dma_start3A_269 : memref<1x128x16xf32, #tpu.memory_space<vmem>> -> memref<128x16xf32, #tpu.memory_space<vmem>>
      tpu.enqueue_dma source(%dma_start3A_270 : memref<128x16xf32, #tpu.memory_space<vmem>>) target(%dma_start3A_266 : memref<128x16xf32, #tpu.memory_space<hbm>>) target_semaphore(%arg8 : memref<!tpu.dma_semaphore, #tpu.memory_space<semaphore_mem>>)
      %dma_wait3A_271 = arith.constant 4 : i32
      %dma_wait3A_272 = arith.constant 4 : i32
      %dma_wait3A_273 = arith.constant 0 : i32
      %dma_wait3A_274 = arith.constant 0 : i32
      %dma_wait3A_275 = tpu.memref_slice %arg6[%dma_wait3A_271, %dma_wait3A_273, %dma_wait3A_274] : memref<6x128x16xf32, #tpu.memory_space<vmem>> -> memref<1x128x16xf32, #tpu.memory_space<vmem>>
      %dma_wait3A_276 = tpu.memref_squeeze %dma_wait3A_275 : memref<1x128x16xf32, #tpu.memory_space<vmem>> -> memref<128x16xf32, #tpu.memory_space<vmem>>
      %dma_wait3A_277 = arith.constant 0 : i32
      %dma_wait3A_278 = tpu.memref_slice %arg5[%min3A_49, %dma_wait3A_277] : memref<80x128xi32, #tpu.memory_space<vmem>> -> memref<1x128xi32, #tpu.memory_space<vmem>>
      %dma_wait3A_279 = tpu.memref_squeeze %dma_wait3A_278 : memref<1x128xi32, #tpu.memory_space<vmem>> -> memref<128xi32, #tpu.memory_space<vmem>>
      %dma_wait3A_280 = arith.constant 0 : i32
      %dma_wait3A_281 = arith.constant 0 : i32
      %dma_wait3A_282 = tpu.memref_slice %arg2[%dma_wait3A_280, %dma_wait3A_281] : memref<10000x16xf32, #tpu.memory_space<hbm>> -> memref<10000x16xf32, #tpu.memory_space<hbm>>
      %dma_wait3A_283 = tpu.memref_slice %arg7[%dma_wait3A_272] : memref<6x!tpu.dma_semaphore, #tpu.memory_space<semaphore_mem>> -> memref<1x!tpu.dma_semaphore, #tpu.memory_space<semaphore_mem>>
      %dma_wait3A_284 = tpu.memref_squeeze %dma_wait3A_283 : memref<1x!tpu.dma_semaphore, #tpu.memory_space<semaphore_mem>> -> memref<!tpu.dma_semaphore, #tpu.memory_space<semaphore_mem>>
      tpu.wait_indirect_dma semaphore(%dma_wait3A_284 : memref<!tpu.dma_semaphore, #tpu.memory_space<semaphore_mem>>) src(%dma_wait3A_282 : memref<10000x16xf32, #tpu.memory_space<hbm>>) dst(%dma_wait3A_276 : memref<128x16xf32, #tpu.memory_space<vmem>>)
      %dma_start3A_285 = arith.constant 4 : i32
      %dma_start3A_286 = arith.constant 0 : i32
      %dma_start3A_287 = arith.constant 0 : i32
      %dma_start3A_288 = tpu.memref_slice %arg6[%dma_start3A_285, %dma_start3A_286, %dma_start3A_287] : memref<6x128x16xf32, #tpu.memory_space<vmem>> -> memref<1x128x16xf32, #tpu.memory_space<vmem>>
      %dma_start3A_289 = tpu.memref_squeeze %dma_start3A_288 : memref<1x128x16xf32, #tpu.memory_space<vmem>> -> memref<128x16xf32, #tpu.memory_space<vmem>>
      %dma_start3A_290 = arith.constant 0 : i32
      %dma_start3A_291 = tpu.memref_slice %arg4[%multiple_of3A_76, %dma_start3A_290] : memref<320000x16xf32, #tpu.memory_space<hbm>> -> memref<128x16xf32, #tpu.memory_space<hbm>>
      %dma_start3A_292 = arith.constant 0 : i32
      %dma_start3A_293 = tpu.memref_slice %arg4[%multiple_of3A_76, %dma_start3A_292] : memref<320000x16xf32, #tpu.memory_space<hbm>> -> memref<128x16xf32, #tpu.memory_space<hbm>>
      %dma_start3A_294 = arith.constant 0 : i32
      %dma_start3A_295 = arith.constant 0 : i32
      %dma_start3A_296 = tpu.memref_slice %arg6[%dma_start3A_285, %dma_start3A_294, %dma_start3A_295] : memref<6x128x16xf32, #tpu.memory_space<vmem>> -> memref<1x128x16xf32, #tpu.memory_space<vmem>>
      %dma_start3A_297 = tpu.memref_squeeze %dma_start3A_296 : memref<1x128x16xf32, #tpu.memory_space<vmem>> -> memref<128x16xf32, #tpu.memory_space<vmem>>
      tpu.enqueue_dma source(%dma_start3A_297 : memref<128x16xf32, #tpu.memory_space<vmem>>) target(%dma_start3A_293 : memref<128x16xf32, #tpu.memory_space<hbm>>) target_semaphore(%arg8 : memref<!tpu.dma_semaphore, #tpu.memory_space<semaphore_mem>>)
      %dma_wait3A_298 = arith.constant 5 : i32
      %dma_wait3A_299 = arith.constant 5 : i32
      %dma_wait3A_300 = arith.constant 0 : i32
      %dma_wait3A_301 = arith.constant 0 : i32
      %dma_wait3A_302 = tpu.memref_slice %arg6[%dma_wait3A_298, %dma_wait3A_300, %dma_wait3A_301] : memref<6x128x16xf32, #tpu.memory_space<vmem>> -> memref<1x128x16xf32, #tpu.memory_space<vmem>>
      %dma_wait3A_303 = tpu.memref_squeeze %dma_wait3A_302 : memref<1x128x16xf32, #tpu.memory_space<vmem>> -> memref<128x16xf32, #tpu.memory_space<vmem>>
      %dma_wait3A_304 = arith.constant 0 : i32
      %dma_wait3A_305 = tpu.memref_slice %arg5[%min3A_56, %dma_wait3A_304] : memref<80x128xi32, #tpu.memory_space<vmem>> -> memref<1x128xi32, #tpu.memory_space<vmem>>
      %dma_wait3A_306 = tpu.memref_squeeze %dma_wait3A_305 : memref<1x128xi32, #tpu.memory_space<vmem>> -> memref<128xi32, #tpu.memory_space<vmem>>
      %dma_wait3A_307 = arith.constant 0 : i32
      %dma_wait3A_308 = arith.constant 0 : i32
      %dma_wait3A_309 = tpu.memref_slice %arg2[%dma_wait3A_307, %dma_wait3A_308] : memref<10000x16xf32, #tpu.memory_space<hbm>> -> memref<10000x16xf32, #tpu.memory_space<hbm>>
      %dma_wait3A_310 = tpu.memref_slice %arg7[%dma_wait3A_299] : memref<6x!tpu.dma_semaphore, #tpu.memory_space<semaphore_mem>> -> memref<1x!tpu.dma_semaphore, #tpu.memory_space<semaphore_mem>>
      %dma_wait3A_311 = tpu.memref_squeeze %dma_wait3A_310 : memref<1x!tpu.dma_semaphore, #tpu.memory_space<semaphore_mem>> -> memref<!tpu.dma_semaphore, #tpu.memory_space<semaphore_mem>>
      tpu.wait_indirect_dma semaphore(%dma_wait3A_311 : memref<!tpu.dma_semaphore, #tpu.memory_space<semaphore_mem>>) src(%dma_wait3A_309 : memref<10000x16xf32, #tpu.memory_space<hbm>>) dst(%dma_wait3A_303 : memref<128x16xf32, #tpu.memory_space<vmem>>)
      %dma_start3A_312 = arith.constant 5 : i32
      %dma_start3A_313 = arith.constant 0 : i32
      %dma_start3A_314 = arith.constant 0 : i32
      %dma_start3A_315 = tpu.memref_slice %arg6[%dma_start3A_312, %dma_start3A_313, %dma_start3A_314] : memref<6x128x16xf32, #tpu.memory_space<vmem>> -> memref<1x128x16xf32, #tpu.memory_space<vmem>>
      %dma_start3A_316 = tpu.memref_squeeze %dma_start3A_315 : memref<1x128x16xf32, #tpu.memory_space<vmem>> -> memref<128x16xf32, #tpu.memory_space<vmem>>
      %dma_start3A_317 = arith.constant 0 : i32
      %dma_start3A_318 = tpu.memref_slice %arg4[%multiple_of3A_80, %dma_start3A_317] : memref<320000x16xf32, #tpu.memory_space<hbm>> -> memref<128x16xf32, #tpu.memory_space<hbm>>
      %dma_start3A_319 = arith.constant 0 : i32
      %dma_start3A_320 = tpu.memref_slice %arg4[%multiple_of3A_80, %dma_start3A_319] : memref<320000x16xf32, #tpu.memory_space<hbm>> -> memref<128x16xf32, #tpu.memory_space<hbm>>
      %dma_start3A_321 = arith.constant 0 : i32
      %dma_start3A_322 = arith.constant 0 : i32
      %dma_start3A_323 = tpu.memref_slice %arg6[%dma_start3A_312, %dma_start3A_321, %dma_start3A_322] : memref<6x128x16xf32, #tpu.memory_space<vmem>> -> memref<1x128x16xf32, #tpu.memory_space<vmem>>
      %dma_start3A_324 = tpu.memref_squeeze %dma_start3A_323 : memref<1x128x16xf32, #tpu.memory_space<vmem>> -> memref<128x16xf32, #tpu.memory_space<vmem>>
      tpu.enqueue_dma source(%dma_start3A_324 : memref<128x16xf32, #tpu.memory_space<vmem>>) target(%dma_start3A_320 : memref<128x16xf32, #tpu.memory_space<hbm>>) target_semaphore(%arg8 : memref<!tpu.dma_semaphore, #tpu.memory_space<semaphore_mem>>)
      %dma_wait3A_325 = arith.constant 0 : i32
      %dma_wait3A_326 = arith.constant 0 : i32
      %dma_wait3A_327 = arith.constant 0 : i32
      %dma_wait3A_328 = tpu.memref_slice %arg6[%dma_wait3A_325, %dma_wait3A_326, %dma_wait3A_327] : memref<6x128x16xf32, #tpu.memory_space<vmem>> -> memref<1x128x16xf32, #tpu.memory_space<vmem>>
      %dma_wait3A_329 = tpu.memref_squeeze %dma_wait3A_328 : memref<1x128x16xf32, #tpu.memory_space<vmem>> -> memref<128x16xf32, #tpu.memory_space<vmem>>
      %dma_wait3A_330 = arith.constant 0 : i32
      %dma_wait3A_331 = tpu.memref_slice %arg4[%multiple_of3A_60, %dma_wait3A_330] : memref<320000x16xf32, #tpu.memory_space<hbm>> -> memref<128x16xf32, #tpu.memory_space<hbm>>
      %dma_wait3A_332 = arith.constant 0 : i32
      %dma_wait3A_333 = tpu.memref_slice %arg4[%multiple_of3A_60, %dma_wait3A_332] : memref<320000x16xf32, #tpu.memory_space<hbm>> -> memref<128x16xf32, #tpu.memory_space<hbm>>
      %dma_wait3A_334 = arith.constant 0 : i32
      %dma_wait3A_335 = arith.constant 0 : i32
      %dma_wait3A_336 = tpu.memref_slice %arg6[%dma_wait3A_325, %dma_wait3A_334, %dma_wait3A_335] : memref<6x128x16xf32, #tpu.memory_space<vmem>> -> memref<1x128x16xf32, #tpu.memory_space<vmem>>
      %dma_wait3A_337 = tpu.memref_squeeze %dma_wait3A_336 : memref<1x128x16xf32, #tpu.memory_space<vmem>> -> memref<128x16xf32, #tpu.memory_space<vmem>>
      tpu.wait_dma2 semaphore(%arg8 : memref<!tpu.dma_semaphore, #tpu.memory_space<semaphore_mem>>) src(%dma_wait3A_337 : memref<128x16xf32, #tpu.memory_space<vmem>>) dst(%dma_wait3A_333 : memref<128x16xf32, #tpu.memory_space<hbm>>)
      %dma_wait3A_338 = arith.constant 1 : i32
      %dma_wait3A_339 = arith.constant 0 : i32
      %dma_wait3A_340 = arith.constant 0 : i32
      %dma_wait3A_341 = tpu.memref_slice %arg6[%dma_wait3A_338, %dma_wait3A_339, %dma_wait3A_340] : memref<6x128x16xf32, #tpu.memory_space<vmem>> -> memref<1x128x16xf32, #tpu.memory_space<vmem>>
      %dma_wait3A_342 = tpu.memref_squeeze %dma_wait3A_341 : memref<1x128x16xf32, #tpu.memory_space<vmem>> -> memref<128x16xf32, #tpu.memory_space<vmem>>
      %dma_wait3A_343 = arith.constant 0 : i32
      %dma_wait3A_344 = tpu.memref_slice %arg4[%multiple_of3A_64, %dma_wait3A_343] : memref<320000x16xf32, #tpu.memory_space<hbm>> -> memref<128x16xf32, #tpu.memory_space<hbm>>
      %dma_wait3A_345 = arith.constant 0 : i32
      %dma_wait3A_346 = tpu.memref_slice %arg4[%multiple_of3A_64, %dma_wait3A_345] : memref<320000x16xf32, #tpu.memory_space<hbm>> -> memref<128x16xf32, #tpu.memory_space<hbm>>
      %dma_wait3A_347 = arith.constant 0 : i32
      %dma_wait3A_348 = arith.constant 0 : i32
      %dma_wait3A_349 = tpu.memref_slice %arg6[%dma_wait3A_338, %dma_wait3A_347, %dma_wait3A_348] : memref<6x128x16xf32, #tpu.memory_space<vmem>> -> memref<1x128x16xf32, #tpu.memory_space<vmem>>
      %dma_wait3A_350 = tpu.memref_squeeze %dma_wait3A_349 : memref<1x128x16xf32, #tpu.memory_space<vmem>> -> memref<128x16xf32, #tpu.memory_space<vmem>>
      tpu.wait_dma2 semaphore(%arg8 : memref<!tpu.dma_semaphore, #tpu.memory_space<semaphore_mem>>) src(%dma_wait3A_350 : memref<128x16xf32, #tpu.memory_space<vmem>>) dst(%dma_wait3A_346 : memref<128x16xf32, #tpu.memory_space<hbm>>)
      %dma_wait3A_351 = arith.constant 2 : i32
      %dma_wait3A_352 = arith.constant 0 : i32
      %dma_wait3A_353 = arith.constant 0 : i32
      %dma_wait3A_354 = tpu.memref_slice %arg6[%dma_wait3A_351, %dma_wait3A_352, %dma_wait3A_353] : memref<6x128x16xf32, #tpu.memory_space<vmem>> -> memref<1x128x16xf32, #tpu.memory_space<vmem>>
      %dma_wait3A_355 = tpu.memref_squeeze %dma_wait3A_354 : memref<1x128x16xf32, #tpu.memory_space<vmem>> -> memref<128x16xf32, #tpu.memory_space<vmem>>
      %dma_wait3A_356 = arith.constant 0 : i32
      %dma_wait3A_357 = tpu.memref_slice %arg4[%multiple_of3A_68, %dma_wait3A_356] : memref<320000x16xf32, #tpu.memory_space<hbm>> -> memref<128x16xf32, #tpu.memory_space<hbm>>
      %dma_wait3A_358 = arith.constant 0 : i32
      %dma_wait3A_359 = tpu.memref_slice %arg4[%multiple_of3A_68, %dma_wait3A_358] : memref<320000x16xf32, #tpu.memory_space<hbm>> -> memref<128x16xf32, #tpu.memory_space<hbm>>
      %dma_wait3A_360 = arith.constant 0 : i32
      %dma_wait3A_361 = arith.constant 0 : i32
      %dma_wait3A_362 = tpu.memref_slice %arg6[%dma_wait3A_351, %dma_wait3A_360, %dma_wait3A_361] : memref<6x128x16xf32, #tpu.memory_space<vmem>> -> memref<1x128x16xf32, #tpu.memory_space<vmem>>
      %dma_wait3A_363 = tpu.memref_squeeze %dma_wait3A_362 : memref<1x128x16xf32, #tpu.memory_space<vmem>> -> memref<128x16xf32, #tpu.memory_space<vmem>>
      tpu.wait_dma2 semaphore(%arg8 : memref<!tpu.dma_semaphore, #tpu.memory_space<semaphore_mem>>) src(%dma_wait3A_363 : memref<128x16xf32, #tpu.memory_space<vmem>>) dst(%dma_wait3A_359 : memref<128x16xf32, #tpu.memory_space<hbm>>)
      %dma_wait3A_364 = arith.constant 3 : i32
      %dma_wait3A_365 = arith.constant 0 : i32
      %dma_wait3A_366 = arith.constant 0 : i32
      %dma_wait3A_367 = tpu.memref_slice %arg6[%dma_wait3A_364, %dma_wait3A_365, %dma_wait3A_366] : memref<6x128x16xf32, #tpu.memory_space<vmem>> -> memref<1x128x16xf32, #tpu.memory_space<vmem>>
      %dma_wait3A_368 = tpu.memref_squeeze %dma_wait3A_367 : memref<1x128x16xf32, #tpu.memory_space<vmem>> -> memref<128x16xf32, #tpu.memory_space<vmem>>
      %dma_wait3A_369 = arith.constant 0 : i32
      %dma_wait3A_370 = tpu.memref_slice %arg4[%multiple_of3A_72, %dma_wait3A_369] : memref<320000x16xf32, #tpu.memory_space<hbm>> -> memref<128x16xf32, #tpu.memory_space<hbm>>
      %dma_wait3A_371 = arith.constant 0 : i32
      %dma_wait3A_372 = tpu.memref_slice %arg4[%multiple_of3A_72, %dma_wait3A_371] : memref<320000x16xf32, #tpu.memory_space<hbm>> -> memref<128x16xf32, #tpu.memory_space<hbm>>
      %dma_wait3A_373 = arith.constant 0 : i32
      %dma_wait3A_374 = arith.constant 0 : i32
      %dma_wait3A_375 = tpu.memref_slice %arg6[%dma_wait3A_364, %dma_wait3A_373, %dma_wait3A_374] : memref<6x128x16xf32, #tpu.memory_space<vmem>> -> memref<1x128x16xf32, #tpu.memory_space<vmem>>
      %dma_wait3A_376 = tpu.memref_squeeze %dma_wait3A_375 : memref<1x128x16xf32, #tpu.memory_space<vmem>> -> memref<128x16xf32, #tpu.memory_space<vmem>>
      tpu.wait_dma2 semaphore(%arg8 : memref<!tpu.dma_semaphore, #tpu.memory_space<semaphore_mem>>) src(%dma_wait3A_376 : memref<128x16xf32, #tpu.memory_space<vmem>>) dst(%dma_wait3A_372 : memref<128x16xf32, #tpu.memory_space<hbm>>)
      %dma_wait3A_377 = arith.constant 4 : i32
      %dma_wait3A_378 = arith.constant 0 : i32
      %dma_wait3A_379 = arith.constant 0 : i32
      %dma_wait3A_380 = tpu.memref_slice %arg6[%dma_wait3A_377, %dma_wait3A_378, %dma_wait3A_379] : memref<6x128x16xf32, #tpu.memory_space<vmem>> -> memref<1x128x16xf32, #tpu.memory_space<vmem>>
      %dma_wait3A_381 = tpu.memref_squeeze %dma_wait3A_380 : memref<1x128x16xf32, #tpu.memory_space<vmem>> -> memref<128x16xf32, #tpu.memory_space<vmem>>
      %dma_wait3A_382 = arith.constant 0 : i32
      %dma_wait3A_383 = tpu.memref_slice %arg4[%multiple_of3A_76, %dma_wait3A_382] : memref<320000x16xf32, #tpu.memory_space<hbm>> -> memref<128x16xf32, #tpu.memory_space<hbm>>
      %dma_wait3A_384 = arith.constant 0 : i32
      %dma_wait3A_385 = tpu.memref_slice %arg4[%multiple_of3A_76, %dma_wait3A_384] : memref<320000x16xf32, #tpu.memory_space<hbm>> -> memref<128x16xf32, #tpu.memory_space<hbm>>
      %dma_wait3A_386 = arith.constant 0 : i32
      %dma_wait3A_387 = arith.constant 0 : i32
      %dma_wait3A_388 = tpu.memref_slice %arg6[%dma_wait3A_377, %dma_wait3A_386, %dma_wait3A_387] : memref<6x128x16xf32, #tpu.memory_space<vmem>> -> memref<1x128x16xf32, #tpu.memory_space<vmem>>
      %dma_wait3A_389 = tpu.memref_squeeze %dma_wait3A_388 : memref<1x128x16xf32, #tpu.memory_space<vmem>> -> memref<128x16xf32, #tpu.memory_space<vmem>>
      tpu.wait_dma2 semaphore(%arg8 : memref<!tpu.dma_semaphore, #tpu.memory_space<semaphore_mem>>) src(%dma_wait3A_389 : memref<128x16xf32, #tpu.memory_space<vmem>>) dst(%dma_wait3A_385 : memref<128x16xf32, #tpu.memory_space<hbm>>)
      %dma_wait3A_390 = arith.constant 5 : i32
      %dma_wait3A_391 = arith.constant 0 : i32
      %dma_wait3A_392 = arith.constant 0 : i32
      %dma_wait3A_393 = tpu.memref_slice %arg6[%dma_wait3A_390, %dma_wait3A_391, %dma_wait3A_392] : memref<6x128x16xf32, #tpu.memory_space<vmem>> -> memref<1x128x16xf32, #tpu.memory_space<vmem>>
      %dma_wait3A_394 = tpu.memref_squeeze %dma_wait3A_393 : memref<1x128x16xf32, #tpu.memory_space<vmem>> -> memref<128x16xf32, #tpu.memory_space<vmem>>
      %dma_wait3A_395 = arith.constant 0 : i32
      %dma_wait3A_396 = tpu.memref_slice %arg4[%multiple_of3A_80, %dma_wait3A_395] : memref<320000x16xf32, #tpu.memory_space<hbm>> -> memref<128x16xf32, #tpu.memory_space<hbm>>
      %dma_wait3A_397 = arith.constant 0 : i32
      %dma_wait3A_398 = tpu.memref_slice %arg4[%multiple_of3A_80, %dma_wait3A_397] : memref<320000x16xf32, #tpu.memory_space<hbm>> -> memref<128x16xf32, #tpu.memory_space<hbm>>
      %dma_wait3A_399 = arith.constant 0 : i32
      %dma_wait3A_400 = arith.constant 0 : i32
      %dma_wait3A_401 = tpu.memref_slice %arg6[%dma_wait3A_390, %dma_wait3A_399, %dma_wait3A_400] : memref<6x128x16xf32, #tpu.memory_space<vmem>> -> memref<1x128x16xf32, #tpu.memory_space<vmem>>
      %dma_wait3A_402 = tpu.memref_squeeze %dma_wait3A_401 : memref<1x128x16xf32, #tpu.memory_space<vmem>> -> memref<128x16xf32, #tpu.memory_space<vmem>>
      tpu.wait_dma2 semaphore(%arg8 : memref<!tpu.dma_semaphore, #tpu.memory_space<semaphore_mem>>) src(%dma_wait3A_402 : memref<128x16xf32, #tpu.memory_space<vmem>>) dst(%dma_wait3A_398 : memref<128x16xf32, #tpu.memory_space<hbm>>)
      %scan3A_403 = arith.constant 0 : i32
      scf.yield %scan3A_403 : i32
    }
    %scan3A_12 = arith.constant 14 : i32
    return
  }
}

</mosaic_0001>

<sc_bundles>
// kernel: _sc_gather.3.cloned.1.call-start
scs
__scs_entry_jumppad:
0x0: {  	(pc) =	sbr.rel $0x88, $3  }
0x1: {  	(tag) =	ssettag $0x0;
	lr =	simm.s32 $0x1  }
0x2: {  	[smem:$0x3F9F] =	sst lr;
	_ =	strace $0xD0000000  }
0x3: {  	_ = 	snop  }
0x4: {  	_ = 	snop  }
0x5: {  	_ = 	snop  }
0x6: {  	_ = 	snop  }
0x7: {  	_ = 	snop  }
__scs_overlays_trampoline_lowered:
0x8: {  	[smem:$0x3FAE] =	sst s0  }
0x9: {  	[smem:$0x3FAF] =	sst s1  }
0xa: {  	[smem:$0x3FB0] =	sst s2  }
0xb: {  	[smem:$0x3FB1] =	sst s3  }
0xc: {  	[smem:$0x3FB2] =	sst s4  }
0xd: {  	[smem:$0x3FB3] =	sst s5  }
0xe: {  	[smem:$0x3FB4] =	sst s6  }
0xf: {  	[smem:$0x3FB5] =	sst s7  }
0x10: {  	[smem:$0x3FB6] =	sst s8  }
0x11: {  	[smem:$0x3FB7] =	sst s9;
	s0 =	simm.s32 @!p0 $0x0  }
0x12: {  	s1 =	sld [smem:$0x3F9D];
	s0 =	simm.s32 @p0 $0x1  }
0x13: {  	[smem:$0x3FB8] =	sst s0;
	s0 =	simm.s32 @!p1 $0x0  }
0x14: {  	s2 =	sld [smem:$0x3F9C];
	s0 =	simm.s32 @p1 $0x1  }
0x15: {  	[smem:$0x3FB9] =	sst s0;
	s0 =	simm.s32 @!p2 $0x0  }
0x16: {  	s3 =	sld [smem:$0x3FDB];
	s0 =	simm.s32 @p2 $0x1  }
0x17: {  	s4 =	simm.s32 $0x1BF5;
	[smem:$0x3FBB] =	sst s0  }
0x18: {  	s0 =	sld [smem:$0x3F9E];
	_ =	swait.ge [sflag:s4], $0x0  }
0x19: {  	s7 =	sld [smem:$0x3F9F]  }
0x1a: {  	s8 =	sadd.s32 $0xFFFFE003, lr  }
0x1b: {  	s9 =	sadd.s32 $0xFFFFFEF7, lr;
	s5 =	simm.s32 $0xFFFFFFFF;
	p2 =	slt.u32 s8, $0xFFFFF086  }
0x1c: {  	p1 =	slt.u32 s9, $0xF7A;
	s5 =	simm.s32 @!p2 $0x0  }
0x1d: {  	s5 =	simm.s32 @p1 $0x1;
	p0 =	seq.s32 s7, s2  }
0x1e: {  	s7 =	smul.u32 @!p0 $0xF7A, s2;
	p2 =	seq.s32 @!p0 s5, $0x0  }
0x1f: {  	s9 =	smul.u32 $0xF7A, s1;
	s8 =	simm.s32 @!p0 $0x1BF5;
	p2 =	por !p2, p0  }
0x20: {  	[sflag:s8] =	ssyncset.s32 @!p0 $0xFFFFF086;
	s6 =	sadd.s32 @!p0 s3, s7;
	s7 =	simm.s32 @!p0 $0x108  }
0x21: {  	s3 =	sadd.s32 s3, s9;
	s6 =	sadd.s32 @!p0 $0x88, s6;
	s7 =	simm.s32 @p2 $0x1082  }
0x22: {  	[simem:s7], [sflag:s8] =	dma.local @!p0 [hbm:s6], $0xF7A  }
0x23: {  	s9 =	sor.u32 $0xD0000000, s2;
	s6 =	simm.s32 $0x108;
	_ =	swait.ge @!p0 [sflag:s8], $0x0  }
0x24: {  	s3 =	sadd.s32 $0x88, s3;
	s6 =	simm.s32 @!p1 $0x1082;
	[sflag:s4] =	ssyncset.s32 $0xFFFFF086  }
0x25: {  	[simem:s6], [sflag:s4] =	dma.local [hbm:s3], $0xF7A  }
0x26: {  	[smem:$0x3F9F] =	sst s1;
	(tag) =	ssettag s2;
	_ =	strace s9  }
0x27: {  	s1 =	sld [smem:$0x3FAF]  }
0x28: {  	s2 =	sld [smem:$0x3FB0]  }
0x29: {  	s4 =	sld [smem:$0x3FB2]  }
0x2a: {  	p0 =	seq.s32 s5, $0x0;
	s5 =	sld [smem:$0x3FB3]  }
0x2b: {  	s6 =	sld [smem:$0x3FB4]  }
0x2c: {  	s7 =	sld [smem:$0x3FB5]  }
0x2d: {  	s3 =	simm.s32 $0x108;
	s8 =	sld [smem:$0x3FB6]  }
0x2e: {  	s3 =	simm.s32 @!p0 $0x1082;
	s9 =	sld [smem:$0x3FB7]  }
0x2f: {  	lr =	sadd.s32 s0, s3;
	s0 =	sld [smem:$0x3FAE]  }
0x30: {  	s3 =	sld [smem:$0x3FB1]  }
0x31: {  	[smem:$0x3FBA] =	sst s10  }
0x32: {  	s10 =	sld [smem:$0x3FB8];
	_ =	sdelay $0x3  }
0x33: {  	p0 =	seq.s32 s10, $0x1;
	s10 =	sld [smem:$0x3FBA];
	_ =	sdelay $0x3  }
0x34: {  	[smem:$0x3FBA] =	sst s10  }
0x35: {  	s10 =	sld [smem:$0x3FB9];
	_ =	sdelay $0x3  }
0x36: {  	p1 =	seq.s32 s10, $0x1;
	s10 =	sld [smem:$0x3FBA];
	_ =	sdelay $0x3  }
0x37: {  	[smem:$0x3FBA] =	sst s10  }
0x38: {  	s10 =	sld [smem:$0x3FBB]  }
0x39: {  	_ = 	snop;
	(pc) =	sbr.ind lr, $3  }
0x3a: {  	_ = 	snop  }
0x3b: {  	_ = 	snop  }
0x3c: {  	p2 =	seq.s32 s10, $0x1;
	s10 =	sld [smem:$0x3FBA]  }
0x3d: {  	_ =	shalt  }
0x3e: {  	_ =	shalt  }
0x3f: {  	_ =	shalt  }
0x40: {  	_ =	shalt  }
0x41: {  	_ =	shalt  }
0x42: {  	_ =	shalt  }
0x43: {  	_ =	shalt  }
0x44: {  	_ =	shalt  }
0x45: {  	_ =	shalt  }
0x46: {  	_ =	shalt  }
0x47: {  	_ =	shalt  }
0x48: {  	_ =	shalt  }
0x49: {  	_ =	shalt  }
0x4a: {  	_ =	shalt  }
0x4b: {  	_ =	shalt  }
0x4c: {  	_ =	shalt  }
0x4d: {  	_ =	shalt  }
0x4e: {  	_ =	shalt  }
0x4f: {  	_ =	shalt  }
0x50: {  	_ =	shalt  }
0x51: {  	_ =	shalt  }
0x52: {  	_ =	shalt  }
0x53: {  	_ =	shalt  }
0x54: {  	_ =	shalt  }
0x55: {  	_ =	shalt  }
0x56: {  	_ =	shalt  }
0x57: {  	_ =	shalt  }
0x58: {  	_ =	shalt  }
0x59: {  	_ =	shalt  }
0x5a: {  	_ =	shalt  }
0x5b: {  	_ =	shalt  }
0x5c: {  	_ =	shalt  }
0x5d: {  	_ =	shalt  }
0x5e: {  	_ =	shalt  }
0x5f: {  	_ =	shalt  }
0x60: {  	_ =	shalt  }
0x61: {  	_ =	shalt  }
0x62: {  	_ =	shalt  }
0x63: {  	_ =	shalt  }
0x64: {  	_ =	shalt  }
0x65: {  	_ =	shalt  }
0x66: {  	_ =	shalt  }
0x67: {  	_ =	shalt  }
0x68: {  	_ =	shalt  }
0x69: {  	_ =	shalt  }
0x6a: {  	_ =	shalt  }
0x6b: {  	_ =	shalt  }
0x6c: {  	_ =	shalt  }
0x6d: {  	_ =	shalt  }
0x6e: {  	_ =	shalt  }
0x6f: {  	_ =	shalt  }
0x70: {  	_ =	shalt  }
0x71: {  	_ =	shalt  }
0x72: {  	_ =	shalt  }
0x73: {  	_ =	shalt  }
0x74: {  	_ =	shalt  }
0x75: {  	_ =	shalt  }
0x76: {  	_ =	shalt  }
0x77: {  	_ =	shalt  }
0x78: {  	_ =	shalt  }
0x79: {  	_ =	shalt  }
0x7a: {  	_ =	shalt  }
0x7b: {  	_ =	shalt  }
0x7c: {  	_ =	shalt  }
0x7d: {  	_ =	shalt  }
0x7e: {  	_ =	shalt  }
0x7f: {  	_ =	shalt  }
0x80: {  	_ =	shalt  }
0x81: {  	_ =	shalt  }
0x82: {  	_ =	shalt  }
0x83: {  	_ =	shalt  }
0x84: {  	_ =	shalt  }
0x85: {  	_ =	shalt  }
0x86: {  	_ =	shalt  }
0x87: {  	_ =	shalt  }
.Lfunc_end0:
.L_simem_size_0:
called_computation_lowered:
.L_overlay_start_0:
0x88: {  	s2 =	sld [smem:$0x3FD9]  }
0x89: {  	s3 =	sld [smem:$0x3FFE];
	_ =	sdelay $0x1  }
0x8a: {  	s1 =	srdreg.scid  }
0x8b: {  	s0 =	sand.u32 $0x1, s1  }
0x8c: {  	s17 =	sshll.u32 s0, $0xA;
	s2 =	sadd.s32 s3, s2  }
0x8d: {  	s2 =	sadd.s32 s2, s17  }
0x8e: {  	[smem:$0x3FC6] =	sst s2  }
0x8f: {  	_ = 	snop  }
0x90: {  	s2 =	sld [smem:$0x3FC8]  }
0x91: {  	s18 =	sld [smem:$0x3FD0];
	(tm) =	ssettm $0x1  }
0x92: {  	s4 =	sld [smem:$0x3FFB];
	_ =	sdelay $0x3  }
0x93: {  	_ =	strace s4  }
0x94: {  	s4 =	sld [smem:$0x3FFC];
	_ =	sdelay $0x3  }
0x95: {  	_ =	strace s4  }
0x96: {  	s4 =	sld [smem:$0x3FFD];
	_ =	sdelay $0x3  }
0x97: {  	_ =	strace s4  }
0x98: {  	_ =	strace $0x8FFFFFFF  }
0x99: {  	s19 =	sld [smem:$0x3FDB];
	_ =	sdelay $0x1  }
0x9a: {  	s5 =	simm.s32 $_scs_section_size  }
0x9b: {  	s6 =	simm.s32 $_size__tile_overlayer_lowered;
	s7 =	simm.s32 $_tile_overlayer_lowered  }
0x9c: {  	s22 =	simm.s32 $0x1BFF;
	s21 =	sshll.u32 s7, $0x1;
	s4 =	sadd.s32 s5, s19  }
0x9d: {  	s8 =	simm.s32 $0x0;
	s20 =	sshll.u32 s6, $0x1;
	s6 =	sadd.s32 s21, s4  }
0x9e: {  	[timem:s8], [sflag:s22] =	dma.local [hbm:s6], s20  }
0x9f: {  	_ =	swait.ge [sflag:s22], s20  }
0xa0: {  	s5 =	ssub.s32 $0x0, s20;
	[sflag:s22] =	ssyncset.done $0x0  }
0xa1: {  	[sflag:s22] =	ssyncadd.s32 s5;
	_ =	sdelay $0x1  }
0xa2: {  	s23 =	simm.s32 $0x1B8B  }
0xa3: {  	_ =	swait.ge [sflag:s23], $0x1  }
0xa4: {  	[sflag:s23] =	ssyncset.done $0x0  }
0xa5: {  	s25 =	simm.s32 $0x1B8E;
	s24 =	sld [smem:$0x3FFE];
	[sflag:s23] =	ssyncadd.s32 $0xFFFFFFFF  }
0xa6: {  	s26 =	simm.s32 $execute0_lowered;
	[smem:$0x3FD2] =	sst s25  }
0xa7: {  	s6 =	sshll.u32 s26, $0x1;
	_ =	strace $0x80000046;
	[dreg:$0x1] =	wrdreg $0xFFFFFFFF  }
0xa8: {  	s28 =	simm.s32 $_size_execute0_lowered;
	s4 =	sadd.s32 s4, s6;
	[dreg:$0x0] =	wrdreg $0x0  }
0xa9: {  	s6 =	sshll.u32 s28, $0x1;
	[dreg:$0x2] =	wrdreg s4  }
0xaa: {  	[dreg:$0x3] =	wrdreg s6  }
0xab: {  	[dreg:$0x4] =	wrdreg $0xC0  }
0xac: {  	_ =	task [dreg:s8], $0x5FFFF  }
0xad: {  	[dreg:$0x1] =	wrdreg $0xFFFFFFFF  }
0xae: {  	[dreg:$0x0] =	wrdreg $0x60  }
0xaf: {  	[dreg:$0x2] =	wrdreg s24  }
0xb0: {  	[dreg:$0x3] =	wrdreg s2  }
0xb1: {  	[dreg:$0x4] =	wrdreg s18  }
0xb2: {  	[dreg:$0x5] =	wrdreg $0x9  }
0xb3: {  	_ =	task.clear_ibuf [dreg:s8], $0x6FFFF;
	_ =	strace $0x90000046  }
0xb4: {  	s29 =	simm.s32 $0x9;
	_ =	strace $0x80000048  }
0xb5: {  	_ =	swait.ge [sflag:s29], $0x1  }
0xb6: {  	[sflag:s29] =	ssyncadd.s32 $0xFFFFFFFF  }
0xb7: {  	_ =	strace $0x90000048  }
0xb8: {  	_ =	sfence  }
0xb9: {  	s30 =	sld [smem:$0x0];
	_ =	sdelay $0x2  }
0xba: {  	s31 =	sshll.u32 s1, $0xD;
	s1 =	sshrl.u32 s1, $0x2  }
0xbb: {  	s3 =	sand.u32 $0x4000, s31;
	s1 =	sadd.s32 s1, s30  }
0xbc: {  	s0 =	sor.u32 s3, s0;
	s1 =	sshll.u32 s1, $0x11  }
0xbd: {  	s0 =	sor.u32 s1, s0  }
0xbe: {  	s0 =	sadd.s32 $0x8F2B, s0  }
0xbf: {  	[sflag:s0] =	ssyncadd.remote.s32 $0x1  }
0xc0: {  	_ =	sfence.sel $0xFFFF  }
0xc1: {  	[dreg:$0x0] =	wrdreg $0xFFFFFFFF;
	(pc) =	sbr.abs _section_cstart, $3  }
0xc2: {  	[dreg:$0x1] =	wrdreg $0xFFFFFFFF  }
0xc3: {  	_ =	task.clear_ibuf [dreg:s8], $0x2FFFF;
	_ =	strace $0x9FFFFFFF  }
0xc4: {  	(tm) =	ssettm $0x7FFFFFFF  }
0xc5: {  	_ =	shalt  }
tec
execute0_lowered:
.L_overlay_start_1:
0x0: {  	(tag) =	ssettag $0x1  }
0x1: {  	s5 =	rddreg [dreg:$0x0]  }
0x2: {  	s6 =	rddreg [dreg:$0x1];
	s1 =	srdreg.scid  }
0x3: {  	s0 =	stileid.u32;
	s2 =	rddreg [dreg:$0x2];
	s3 =	simm.s32 $0x0  }
0x4: {  	s11 =	simm.s32 $0x2800;
	s12 =	simm.s32 $0x3000;
	s13 =	simm.s32 $0x3800  }
0x5: {  	s14 =	simm.s32 $0x4000;
	s15 =	simm.s32 $0x4800;
	s16 =	simm.s32 $0x5000  }
0x6: {  	s17 =	simm.s32 $0x1;
	s18 =	simm.s32 $0x2;
	s19 =	simm.s32 $0x3  }
0x7: {  	s20 =	simm.s32 $0x4;
	s7 =	sand.u32 $0x1, s1;
	s4 =	sshll.u32 s0, $0x1  }
0x8: {  	s21 =	simm.s32 $0x5;
	s22 =	simm.s32 $0x6;
	s8 =	sor.u32 s7, s4  }
0x9: {  	s23 =	simm.s32 $0x7;
	[smem:$0x7FF] =	sst s3;
	s4 =	smul.u32 $0x50, s8  }
0xa: {  	s5 =	sadd.s32 $0x400, s5;
	s7 =	ssub.s32 $0x2, s7;
	s8 =	smul.u32 $0x500, s8  }
0xb: {  	s1 =	simm.s32 $0x0;
	_ =	strace $0x80000047;
	s9 =	sshrl.u32 s7, $0x1  }
0xc: {  	s29 =	ssub.s32 s7, s9;
	s10 =	ssub.s32 $0x9C4, s4;
	s31 =	sadd.s32 s6, s8  }
0xd: {  	s0 =	smax.u32 s29, $0x1;
	s30 =	smin.u32 s10, $0x50;
	[dreg:$0x4] =	wrdreg s31  }
0xe: {  	[dreg:$0x5] =	wrdreg s0;
	s10 =	simm.s32 $0x80;
	s9 =	sadd.s32 $0xFFFFFFFF, s30  }
.LBB2_1:
0xf: {  	[dreg:$0x6] =	wrdreg s1  }
0x10: {  	s0 =	rddreg [dreg:$0x4]  }
0x11: {  	s8 =	simm.s32 $0x8;
	s25 =	simm.s32 $0x0;
	p0 =	sgt.s32 s9, $0x0  }
0x12: {  	s26 =	smov.u32 s9;
	s28 =	smov.u32 s9;
	s30 =	simm.s32 $0x2  }
0x13: {  	[tilespmem:s3], [sflag:$0x8] =	stream.linear.gather [hbm4b:s0+s3], $0x2800, $0x38;
	[tilespmem:$0x5800] =	vst v63  }
0x14: {  	s31 =	smov.u32 s9;
	s1 =	smov.u32 s9;
	s26 =	smov.u32 @p0 s25  }
0x15: {  	s25 =	simm.s32 $0x1;
	p0 =	sgt.s32 s9, $0x1;
	_ =	swait.ge [sflag:s8], $0x2800  }
0x16: {  	s24 =	sshll.u32 s26, $0x7;
	s28 =	smov.u32 @p0 s25;
	p0 =	sgt.s32 s9, $0x2  }
0x17: {  	[sflag:s8] =	ssyncset.done $0x0;
	s25 =	sshll.u32 s28, $0x7;
	s0 =	sand.u32 $0x3FFFFF80, s24  }
0x18: {  	s31 =	smov.u32 @p0 s30;
	s30 =	simm.s32 $0x3;
	[sflag:s8] =	ssyncadd.s32 $0xFFFFD800  }
0x19: {  	[tilespmem:s11], [sflag:$0x1] =	stream.indirect.gather [hbm4b:s5+s10], $0x10, s0, s10, $0xb8;
	[tilespmem:$0x5800] =	vst v63  }
0x1a: {  	p0 =	sgt.s32 s9, $0x3;
	s25 =	sand.u32 $0x3FFFFF80, s25;
	s29 =	sshll.u32 s31, $0x7  }
0x1b: {  	[tilespmem:s12], [sflag:$0x2] =	stream.indirect.gather [hbm4b:s5+s10], $0x10, s25, s10, $0xb8;
	[tilespmem:$0x5800] =	vst v63  }
0x1c: {  	s1 =	smov.u32 @p0 s30;
	p0 =	sgt.s32 s9, $0x4;
	s0 =	sand.u32 $0x3FFFFF80, s29  }
0x1d: {  	[tilespmem:s13], [sflag:$0x3] =	stream.indirect.gather [hbm4b:s5+s10], $0x10, s0, s10, $0xb8;
	[tilespmem:$0x5800] =	vst v63  }
0x1e: {  	s30 =	sshll.u32 s1, $0x7;
	s25 =	simm.s32 $0x4;
	s0 =	smov.u32 s9  }
0x1f: {  	s6 =	sand.u32 $0x3FFFFF80, s30;
	s0 =	smov.u32 @p0 s25  }
0x20: {  	[tilespmem:s14], [sflag:$0x4] =	stream.indirect.gather [hbm4b:s5+s10], $0x10, s6, s10, $0xb8;
	[tilespmem:$0x5800] =	vst v63  }
0x21: {  	p0 =	sgt.s32 s9, $0x5;
	s25 =	smov.u32 s9;
	s30 =	sshll.u32 s0, $0x7  }
0x22: {  	s25 =	smov.u32 @p0 s21;
	s30 =	sand.u32 $0x3FFFFF80, s30  }
0x23: {  	[tilespmem:s15], [sflag:$0x5] =	stream.indirect.gather [hbm4b:s5+s10], $0x10, s30, s10, $0xb8;
	[tilespmem:$0x5800] =	vst v63  }
0x24: {  	s30 =	sshll.u32 s25, $0x7  }
0x25: {  	s26 =	sadd.s32 s4, s26;
	s30 =	sand.u32 $0x3FFFFF80, s30  }
0x26: {  	[tilespmem:s16], [sflag:$0x6] =	stream.indirect.gather [hbm4b:s5+s10], $0x10, s30, s10, $0xb8;
	[tilespmem:$0x5800] =	vst v63  }
0x27: {  	s26 =	sshll.u32 s26, $0x8;
	_ =	swait.ge [sflag:s17], $0x800  }
0x28: {  	s26 =	sand.u32 $0x1FFFFF00, s26;
	[sflag:s17] =	ssyncset.done $0x0  }
0x29: {  	s7 =	sadd.s32 s4, s28;
	s26 =	sadd.s32 s2, s26;
	[sflag:s17] =	ssyncadd.s32 $0xFFFFF800  }
0x2a: {  	[hbm4b:s26+s3] =	stream.linear.scatter [tilespmem:s11], [sflag:$0x7], $0x800, $0x38;
	[tilespmem:$0x5800] =	vst v63  }
0x2b: {  	s26 =	sshll.u32 s7, $0x8;
	_ =	swait.ge [sflag:s18], $0x800  }
0x2c: {  	s26 =	sand.u32 $0x1FFFFF00, s26;
	[sflag:s18] =	ssyncset.done $0x0  }
0x2d: {  	s8 =	sadd.s32 s4, s31;
	s26 =	sadd.s32 s2, s26;
	[sflag:s18] =	ssyncadd.s32 $0xFFFFF800  }
0x2e: {  	[hbm4b:s26+s3] =	stream.linear.scatter [tilespmem:s12], [sflag:$0x7], $0x800, $0x38;
	[tilespmem:$0x5800] =	vst v63  }
0x2f: {  	s26 =	sshll.u32 s8, $0x8;
	_ =	swait.ge [sflag:s19], $0x800  }
0x30: {  	s26 =	sand.u32 $0x1FFFFF00, s26;
	[sflag:s19] =	ssyncset.done $0x0  }
0x31: {  	s1 =	sadd.s32 s4, s1;
	s26 =	sadd.s32 s2, s26;
	[sflag:s19] =	ssyncadd.s32 $0xFFFFF800  }
0x32: {  	[hbm4b:s26+s3] =	stream.linear.scatter [tilespmem:s13], [sflag:$0x7], $0x800, $0x38;
	[tilespmem:$0x5800] =	vst v63  }
0x33: {  	s1 =	sshll.u32 s1, $0x8;
	_ =	swait.ge [sflag:s20], $0x800  }
0x34: {  	s1 =	sand.u32 $0x1FFFFF00, s1;
	[sflag:s20] =	ssyncset.done $0x0  }
0x35: {  	s1 =	sadd.s32 s2, s1;
	s24 =	sadd.s32 s4, s0;
	[sflag:s20] =	ssyncadd.s32 $0xFFFFF800  }
0x36: {  	[hbm4b:s1+s3] =	stream.linear.scatter [tilespmem:s14], [sflag:$0x7], $0x800, $0x38;
	[tilespmem:$0x5800] =	vst v63  }
0x37: {  	s28 =	sshll.u32 s24, $0x8;
	_ =	swait.ge [sflag:s21], $0x800  }
0x38: {  	s1 =	sand.u32 $0x1FFFFF00, s28;
	[sflag:s21] =	ssyncset.done $0x0  }
0x39: {  	s25 =	sadd.s32 s4, s25;
	s1 =	sadd.s32 s2, s1;
	[sflag:s21] =	ssyncadd.s32 $0xFFFFF800  }
0x3a: {  	[hbm4b:s1+s3] =	stream.linear.scatter [tilespmem:s15], [sflag:$0x7], $0x800, $0x38;
	[tilespmem:$0x5800] =	vst v63  }
0x3b: {  	s29 =	sshll.u32 s25, $0x8;
	_ =	swait.ge [sflag:s22], $0x800  }
0x3c: {  	s1 =	sand.u32 $0x1FFFFF00, s29;
	[sflag:s22] =	ssyncset.done $0x0  }
0x3d: {  	s31 =	simm.s32 $0x11;
	s1 =	sadd.s32 s2, s1;
	[sflag:s22] =	ssyncadd.s32 $0xFFFFF800  }
0x3e: {  	[hbm4b:s1+s3] =	stream.linear.scatter [tilespmem:s16], [sflag:$0x7], $0x800, $0x38;
	[tilespmem:$0x5800] =	vst v63  }
0x3f: {  	p0 =	sgt.s32 s9, $0x6;
	s25 =	simm.s32 $0xB;
	_ =	swait.ge [sflag:s23], $0x800  }
0x40: {  	s26 =	smov.u32 s9;
	s1 =	simm.s32 $0x6;
	[sflag:s23] =	ssyncset.done $0x0  }
0x41: {  	s30 =	simm.s32 $0x7;
	s26 =	smov.u32 @p0 s1;
	[sflag:s23] =	ssyncadd.s32 $0xFFFFF800  }
.LBB2_2:
0x42: {  	p0 =	slt.s32 s30, s9;
	s1 =	sshll.u32 s26, $0x7;
	_ =	swait.ge [sflag:s23], $0x800  }
0x43: {  	s8 =	smov.u32 s31;
	s28 =	smov.u32 s9;
	s0 =	sadd.s32 $0xFFFFFFFD, s25  }
0x44: {  	s28 =	smov.u32 @p0 s30;
	s1 =	sand.u32 $0x3FFFFF80, s1;
	[sflag:s23] =	ssyncset.done $0x0  }
0x45: {  	s30 =	sadd.s32 s4, s28;
	s28 =	sshll.u32 s28, $0x7;
	[sflag:s23] =	ssyncadd.s32 $0xFFFFF800  }
0x46: {  	s7 =	smov.u32 s9;
	s30 =	sshll.u32 s30, $0x8;
	_ =	swait.ge [sflag:s23], $0x800  }
0x47: {  	p0 =	slt.s32 s0, s9;
	s6 =	sand.u32 $0x3FFFFF80, s28;
	[sflag:s23] =	ssyncset.done $0x0  }
0x48: {  	s7 =	smov.u32 @p0 s0;
	s30 =	sand.u32 $0x1FFFFF00, s30;
	[sflag:s23] =	ssyncadd.s32 $0xFFFFF800  }
0x49: {  	s28 =	sadd.s32 $0x6, s31;
	s0 =	sadd.s32 s4, s7;
	_ =	swait.ge [sflag:s23], $0x800  }
0x4a: {  	s7 =	sshll.u32 s7, $0x7;
	s0 =	sshll.u32 s0, $0x8;
	[sflag:s23] =	ssyncset.done $0x0  }
0x4b: {  	p0 =	sne.s32 s31, $0x53;
	s31 =	sand.u32 $0x1FFFFF00, s0;
	[sflag:s23] =	ssyncadd.s32 $0xFFFFF800  }
0x4c: {  	s0 =	sadd.s32 $0xFFFFFFFE, s25;
	_ =	swait.ge [sflag:s23], $0x800  }
0x4d: {  	s29 =	smov.u32 s9;
	p1 =	slt.s32 s0, s9;
	[sflag:s23] =	ssyncset.done $0x0  }
0x4e: {  	s29 =	smov.u32 @p1 s0;
	s0 =	sand.u32 $0x3FFFFF80, s7;
	[sflag:s23] =	ssyncadd.s32 $0xFFFFF800  }
0x4f: {  	s7 =	sadd.s32 $0xFFFFFFFF, s25;
	s24 =	sadd.s32 s4, s29;
	_ =	swait.ge [sflag:s23], $0x800  }
0x50: {  	[sflag:s23] =	ssyncset.done $0x0  }
0x51: {  	[sflag:s23] =	ssyncadd.s32 $0xFFFFF800  }
0x52: {  	p1 =	slt.s32 s7, s9  }
0x53: {  	[tilespmem:s11], [sflag:$0x1] =	stream.indirect.gather [hbm4b:s5+s10], $0x10, s1, s10, $0xb8;
	[tilespmem:$0x5800] =	vst v63  }
0x54: {  	s1 =	smov.u32 s9  }
0x55: {  	s1 =	smov.u32 @p1 s7;
	p1 =	slt.s32 s25, s9;
	s7 =	sshll.u32 s29, $0x7  }
0x56: {  	[tilespmem:s12], [sflag:$0x2] =	stream.indirect.gather [hbm4b:s5+s10], $0x10, s6, s10, $0xb8;
	[tilespmem:$0x5800] =	vst v63  }
0x57: {  	s6 =	smov.u32 s9  }
0x58: {  	s7 =	sand.u32 $0x3FFFFF80, s7;
	s6 =	smov.u32 @p1 s25;
	s25 =	sshll.u32 s1, $0x7  }
0x59: {  	[tilespmem:s13], [sflag:$0x3] =	stream.indirect.gather [hbm4b:s5+s10], $0x10, s0, s10, $0xb8;
	[tilespmem:$0x5800] =	vst v63  }
0x5a: {  	s0 =	sadd.s32 s4, s1;
	s1 =	sadd.s32 s4, s6;
	s6 =	sshll.u32 s6, $0x7  }
0x5b: {  	[tilespmem:s14], [sflag:$0x4] =	stream.indirect.gather [hbm4b:s5+s10], $0x10, s7, s10, $0xb8;
	[tilespmem:$0x5800] =	vst v63  }
0x5c: {  	s0 =	sshll.u32 s0, $0x8;
	s1 =	sshll.u32 s1, $0x8;
	s7 =	sand.u32 $0x3FFFFF80, s25  }
0x5d: {  	[tilespmem:s15], [sflag:$0x5] =	stream.indirect.gather [hbm4b:s5+s10], $0x10, s7, s10, $0xb8;
	[tilespmem:$0x5800] =	vst v63  }
0x5e: {  	s6 =	sand.u32 $0x3FFFFF80, s6;
	s1 =	sand.u32 $0x1FFFFF00, s1;
	s7 =	sadd.s32 s4, s26  }
0x5f: {  	[tilespmem:s16], [sflag:$0x6] =	stream.indirect.gather [hbm4b:s5+s10], $0x10, s6, s10, $0xb8;
	[tilespmem:$0x5800] =	vst v63  }
0x60: {  	s25 =	smov.u32 s8;
	s6 =	sshll.u32 s7, $0x8;
	_ =	swait.ge [sflag:s17], $0x800  }
0x61: {  	s6 =	sand.u32 $0x1FFFFF00, s6;
	[sflag:s17] =	ssyncset.done $0x0  }
0x62: {  	s6 =	sadd.s32 s2, s6;
	[sflag:s17] =	ssyncadd.s32 $0xFFFFF800  }
0x63: {  	[hbm4b:s6+s3] =	stream.linear.scatter [tilespmem:s11], [sflag:$0x7], $0x800, $0x38;
	[tilespmem:$0x5800] =	vst v63  }
0x64: {  	s6 =	sadd.s32 s2, s30;
	_ =	swait.ge [sflag:s18], $0x800  }
0x65: {  	s7 =	sshll.u32 s24, $0x8;
	[sflag:s18] =	ssyncset.done $0x0  }
0x66: {  	[sflag:s18] =	ssyncadd.s32 $0xFFFFF800  }
0x67: {  	[hbm4b:s6+s3] =	stream.linear.scatter [tilespmem:s12], [sflag:$0x7], $0x800, $0x38;
	[tilespmem:$0x5800] =	vst v63  }
0x68: {  	s6 =	sadd.s32 s2, s31;
	_ =	swait.ge [sflag:s19], $0x800  }
0x69: {  	[sflag:s19] =	ssyncset.done $0x0  }
0x6a: {  	s7 =	sand.u32 $0x1FFFFF00, s7;
	[sflag:s19] =	ssyncadd.s32 $0xFFFFF800  }
0x6b: {  	[hbm4b:s6+s3] =	stream.linear.scatter [tilespmem:s13], [sflag:$0x7], $0x800, $0x38;
	[tilespmem:$0x5800] =	vst v63  }
0x6c: {  	s6 =	sadd.s32 s2, s7;
	_ =	swait.ge [sflag:s20], $0x800  }
0x6d: {  	[sflag:s20] =	ssyncset.done $0x0  }
0x6e: {  	s0 =	sand.u32 $0x1FFFFF00, s0;
	[sflag:s20] =	ssyncadd.s32 $0xFFFFF800  }
0x6f: {  	[hbm4b:s6+s3] =	stream.linear.scatter [tilespmem:s14], [sflag:$0x7], $0x800, $0x38;
	[tilespmem:$0x5800] =	vst v63  }
0x70: {  	s0 =	sadd.s32 s2, s0;
	_ =	swait.ge [sflag:s21], $0x800  }
0x71: {  	[sflag:s21] =	ssyncset.done $0x0  }
0x72: {  	[sflag:s21] =	ssyncadd.s32 $0xFFFFF800  }
0x73: {  	[hbm4b:s0+s3] =	stream.linear.scatter [tilespmem:s15], [sflag:$0x7], $0x800, $0x38;
	[tilespmem:$0x5800] =	vst v63  }
0x74: {  	_ =	swait.ge [sflag:s22], $0x800  }
0x75: {  	[sflag:s22] =	ssyncset.done $0x0  }
.Ltmp0:
0x76: {  	s0 =	sadd.s32 s2, s1;
	[sflag:s22] =	ssyncadd.s32 $0xFFFFF800;
	(pc) =	sbr.rel @p0 .LBB2_2-.Ltmp0, $4  }
0x77: {  	[hbm4b:s0+s3] =	stream.linear.scatter [tilespmem:s16], [sflag:$0x7], $0x800, $0x38;
	[tilespmem:$0x5800] =	vst v63  }
0x78: {  	s26 =	smov.u32 s9;
	s0 =	sadd.s32 $0xFFFFFFFB, s25;
	_ =	swait.ge [sflag:s23], $0x800  }
0x79: {  	s30 =	sadd.s32 $0xFFFFFFFC, s25;
	p1 =	slt.s32 s0, s9;
	[sflag:s23] =	ssyncset.done $0x0  }
0x7a: {  	s31 =	smov.u32 s28;
	s26 =	smov.u32 @p1 s0;
	[sflag:s23] =	ssyncadd.s32 $0xFFFFF800  }
0x7b: {  	_ =	swait.ge [sflag:s23], $0x800  }
0x7c: {  	[sflag:s23] =	ssyncset.done $0x0  }
0x7d: {  	[sflag:s23] =	ssyncadd.s32 $0xFFFFF800  }
0x7e: {  	_ =	swait.ge [sflag:s23], $0x800  }
0x7f: {  	[sflag:s23] =	ssyncset.done $0x0  }
0x80: {  	[sflag:s23] =	ssyncadd.s32 $0xFFFFF800  }
0x81: {  	p0 =	slt.s32 s30, s9;
	s0 =	smov.u32 s9;
	_ =	swait.ge [sflag:s23], $0x800  }
0x82: {  	s1 =	sshll.u32 s26, $0x7;
	s6 =	sadd.s32 $0xFFFFFFFD, s25;
	[sflag:s23] =	ssyncset.done $0x0  }
0x83: {  	s8 =	smov.u32 s9;
	s24 =	smov.u32 s9;
	[sflag:s23] =	ssyncadd.s32 $0xFFFFF800  }
0x84: {  	s0 =	smov.u32 @p0 s30;
	s1 =	sand.u32 $0x3FFFFF80, s1;
	_ =	swait.ge [sflag:s23], $0x800  }
0x85: {  	p0 =	slt.s32 s6, s9;
	s7 =	sshll.u32 s0, $0x7;
	[sflag:s23] =	ssyncset.done $0x0  }
0x86: {  	s8 =	smov.u32 @p0 s6;
	s6 =	sadd.s32 $0xFFFFFFFE, s25;
	[sflag:s23] =	ssyncadd.s32 $0xFFFFF800  }
0x87: {  	s28 =	sand.u32 $0x3FFFFF80, s7;
	p0 =	slt.s32 s6, s9;
	_ =	swait.ge [sflag:s23], $0x800  }
0x88: {  	s29 =	sshll.u32 s8, $0x7;
	s24 =	smov.u32 @p0 s6;
	[sflag:s23] =	ssyncset.done $0x0  }
0x89: {  	s30 =	sand.u32 $0x3FFFFF80, s29;
	s6 =	sadd.s32 $0xFFFFFFFF, s25;
	[sflag:s23] =	ssyncadd.s32 $0xFFFFF800  }
0x8a: {  	[tilespmem:s11], [sflag:$0x1] =	stream.indirect.gather [hbm4b:s5+s10], $0x10, s1, s10, $0xb8;
	[tilespmem:$0x5800] =	vst v63  }
0x8b: {  	p0 =	slt.s32 s6, s9;
	s31 =	sshll.u32 s24, $0x7;
	s1 =	smov.u32 s9  }
0x8c: {  	[tilespmem:s12], [sflag:$0x2] =	stream.indirect.gather [hbm4b:s5+s10], $0x10, s28, s10, $0xb8;
	[tilespmem:$0x5800] =	vst v63  }
0x8d: {  	s1 =	smov.u32 @p0 s6;
	p0 =	slt.s32 s25, s9;
	s6 =	smov.u32 s9  }
0x8e: {  	[tilespmem:s13], [sflag:$0x3] =	stream.indirect.gather [hbm4b:s5+s10], $0x10, s30, s10, $0xb8;
	[tilespmem:$0x5800] =	vst v63  }
0x8f: {  	s28 =	sand.u32 $0x3FFFFF80, s31;
	s29 =	sshll.u32 s1, $0x7;
	s6 =	smov.u32 @p0 s25  }
0x90: {  	[tilespmem:s14], [sflag:$0x4] =	stream.indirect.gather [hbm4b:s5+s10], $0x10, s28, s10, $0xb8;
	[tilespmem:$0x5800] =	vst v63  }
0x91: {  	s7 =	sand.u32 $0x3FFFFF80, s29;
	s30 =	sshll.u32 s6, $0x7  }
0x92: {  	[tilespmem:s15], [sflag:$0x5] =	stream.indirect.gather [hbm4b:s5+s10], $0x10, s7, s10, $0xb8;
	[tilespmem:$0x5800] =	vst v63  }
0x93: {  	s31 =	sadd.s32 s4, s26;
	s7 =	sand.u32 $0x3FFFFF80, s30  }
0x94: {  	[tilespmem:s16], [sflag:$0x6] =	stream.indirect.gather [hbm4b:s5+s10], $0x10, s7, s10, $0xb8;
	[tilespmem:$0x5800] =	vst v63  }
0x95: {  	s7 =	sshll.u32 s31, $0x8;
	_ =	swait.ge [sflag:s17], $0x800  }
0x96: {  	s7 =	sand.u32 $0x1FFFFF00, s7;
	[sflag:s17] =	ssyncset.done $0x0  }
0x97: {  	s0 =	sadd.s32 s4, s0;
	s7 =	sadd.s32 s2, s7;
	[sflag:s17] =	ssyncadd.s32 $0xFFFFF800  }
0x98: {  	[hbm4b:s7+s3] =	stream.linear.scatter [tilespmem:s11], [sflag:$0x7], $0x800, $0x38;
	[tilespmem:$0x5800] =	vst v63  }
0x99: {  	s0 =	sshll.u32 s0, $0x8;
	_ =	swait.ge [sflag:s18], $0x800  }
0x9a: {  	s0 =	sand.u32 $0x1FFFFF00, s0;
	[sflag:s18] =	ssyncset.done $0x0  }
0x9b: {  	s0 =	sadd.s32 s2, s0;
	s25 =	sadd.s32 s4, s8;
	[sflag:s18] =	ssyncadd.s32 $0xFFFFF800  }
0x9c: {  	[hbm4b:s0+s3] =	stream.linear.scatter [tilespmem:s12], [sflag:$0x7], $0x800, $0x38;
	[tilespmem:$0x5800] =	vst v63  }
0x9d: {  	s0 =	sshll.u32 s25, $0x8;
	_ =	swait.ge [sflag:s19], $0x800  }
0x9e: {  	s0 =	sand.u32 $0x1FFFFF00, s0;
	[sflag:s19] =	ssyncset.done $0x0  }
0x9f: {  	s26 =	sadd.s32 s4, s24;
	s0 =	sadd.s32 s2, s0;
	[sflag:s19] =	ssyncadd.s32 $0xFFFFF800  }
0xa0: {  	[hbm4b:s0+s3] =	stream.linear.scatter [tilespmem:s13], [sflag:$0x7], $0x800, $0x38;
	[tilespmem:$0x5800] =	vst v63  }
0xa1: {  	s0 =	sshll.u32 s26, $0x8;
	_ =	swait.ge [sflag:s20], $0x800  }
0xa2: {  	s0 =	sand.u32 $0x1FFFFF00, s0;
	[sflag:s20] =	ssyncset.done $0x0  }
0xa3: {  	s28 =	sadd.s32 s4, s1;
	s0 =	sadd.s32 s2, s0;
	[sflag:s20] =	ssyncadd.s32 $0xFFFFF800  }
0xa4: {  	[hbm4b:s0+s3] =	stream.linear.scatter [tilespmem:s14], [sflag:$0x7], $0x800, $0x38;
	[tilespmem:$0x5800] =	vst v63  }
0xa5: {  	s0 =	sshll.u32 s28, $0x8;
	_ =	swait.ge [sflag:s21], $0x800  }
0xa6: {  	s0 =	sand.u32 $0x1FFFFF00, s0;
	[sflag:s21] =	ssyncset.done $0x0  }
0xa7: {  	s29 =	sadd.s32 s4, s6;
	s0 =	sadd.s32 s2, s0;
	[sflag:s21] =	ssyncadd.s32 $0xFFFFF800  }
0xa8: {  	[hbm4b:s0+s3] =	stream.linear.scatter [tilespmem:s15], [sflag:$0x7], $0x800, $0x38;
	[tilespmem:$0x5800] =	vst v63  }
0xa9: {  	s0 =	sshll.u32 s29, $0x8;
	_ =	swait.ge [sflag:s22], $0x800  }
0xaa: {  	s0 =	sand.u32 $0x1FFFFF00, s0;
	[sflag:s22] =	ssyncset.done $0x0  }
0xab: {  	s0 =	sadd.s32 s2, s0;
	[sflag:s22] =	ssyncadd.s32 $0xFFFFF800  }
0xac: {  	[hbm4b:s0+s3] =	stream.linear.scatter [tilespmem:s16], [sflag:$0x7], $0x800, $0x38;
	[tilespmem:$0x5800] =	vst v63  }
0xad: {  	_ =	swait.ge [sflag:s23], $0x800  }
0xae: {  	[sflag:s23] =	ssyncset.done $0x0  }
0xaf: {  	[sflag:s23] =	ssyncadd.s32 $0xFFFFF800  }
0xb0: {  	_ =	swait.ge [sflag:s23], $0x800  }
0xb1: {  	[sflag:s23] =	ssyncset.done $0x0  }
0xb2: {  	[sflag:s23] =	ssyncadd.s32 $0xFFFFF800  }
0xb3: {  	_ =	swait.ge [sflag:s23], $0x800  }
0xb4: {  	[sflag:s23] =	ssyncset.done $0x0  }
0xb5: {  	[sflag:s23] =	ssyncadd.s32 $0xFFFFF800  }
0xb6: {  	_ =	swait.ge [sflag:s23], $0x800  }
0xb7: {  	[sflag:s23] =	ssyncset.done $0x0  }
0xb8: {  	[sflag:s23] =	ssyncadd.s32 $0xFFFFF800  }
0xb9: {  	_ =	swait.ge [sflag:s23], $0x800  }
0xba: {  	[sflag:s23] =	ssyncset.done $0x0  }
0xbb: {  	[sflag:s23] =	ssyncadd.s32 $0xFFFFF800  }
0xbc: {  	_ =	swait.ge [sflag:s23], $0x800  }
0xbd: {  	s30 =	rddreg [dreg:$0x6]  }
0xbe: {  	s31 =	rddreg [dreg:$0x5];
	s1 =	sadd.s32 $0x1, s30  }
0xbf: {  	p0 =	sne.s32 s1, s31  }
.Ltmp1:
0xc0: {  	_ = 	snop;
	(pc) =	sbr.rel @p0 .LBB2_1-.Ltmp1, $3  }
0xc1: {  	_ =	sdelay $0x1  }
0xc2: {  	[sflag:s23] =	ssyncset.done $0x0  }
0xc3: {  	[sflag:s23] =	ssyncadd.s32 $0xFFFFF800  }
0xc4: {  	_ =	sfence.sel $0x180000  }
0xc5: {  	[bflag:$0x0] =	sbarrier.arrive $0xFFFF  }
0xc6: {  	_ =	strace $0x90000047  }
0xc7: {  	s0 =	stileid.u32;
	[bflag:$0x2] =	sbarrier.arrive $0xFFFF  }
0xc8: {  	p0 =	sne.s32 s0, $0x0;
	s0 =	rddreg [dreg:$0x3]  }
0xc9: {  	s0 =	sadd.s32 @!p0 $0x100000, s0  }
0xca: {  	[sflag:s0] =	ssyncadd.tile.s32 @!p0 $0x1;
	_ =	shalt  }
.Lfunc_end2:
_tile_overlayer_lowered:
.L_overlay_start_2:
0xcb: {  	(tag) =	ssettag $0x2  }
0xcc: {  	s0 =	rddreg [dreg:$0x0];
	s2 =	stileid.u32  }
0xcd: {  	s1 =	rddreg [dreg:$0x1];
	p0 =	sne.s32 s2, $0x0  }
0xce: {  	s3 =	rddreg [dreg:$0x2];
	[bflag:$0x3] =	sbarrier.arrive $0xFFFF;
	s2 =	simm.s32 @!p0 $0x1C08  }
0xcf: {  	[timem:s3], [sflag:s2] =	dma.local @!p0 [hbm:s0], s1  }
0xd0: {  	s0 =	simm.s32 @!p0 $0x8  }
0xd1: {  	_ =	swait.ge @!p0 [sflag:s0], s1  }
0xd2: {  	s1 =	ssub.s32 @!p0 $0x0, s1;
	[sflag:s0] =	ssyncset.done @!p0 $0x0  }
0xd3: {  	[sflag:s0] =	ssyncadd.s32 @!p0 s1  }
0xd4: {  	[bflag:$0x3] =	sbarrier.arrive $0xFFFF  }
0xd5: {  	_ =	shalt  }

</sc_bundles>
